<compile_context>
chip_gen: v7x
topology: tpu7x:2x2x1
jax: 0.10.2.dev20260603
libtpu: 0.0.44.dev20260713+nightly
codegen_flags: <defaults>
</compile_context>

<pallas_src>
import functools

import jax
from jax import lax
from jax.experimental import pallas as pl
from jax.experimental.pallas import tpu as pltpu
from jax.experimental.pallas import tpu_sc as plsc

_NUM_WORKERS = 32
_CHUNK_ROWS = 64


def _make_sc_copy(batch, seq_len, d_model, dtype):
    rows_per_w = seq_len // _NUM_WORKERS
    n_chunks = rows_per_w // _CHUNK_ROWS
    mesh = plsc.VectorSubcoreMesh(core_axis_name="c", subcore_axis_name="s")

    @functools.partial(
        pl.kernel,
        mesh=mesh,
        out_type=jax.ShapeDtypeStruct((batch, seq_len, d_model), dtype),
        scratch_types=[
            pltpu.VMEM((_CHUNK_ROWS, d_model), dtype),
            pltpu.VMEM((_CHUNK_ROWS, d_model), dtype),
            pltpu.SemaphoreType.DMA,
            pltpu.SemaphoreType.DMA,
            pltpu.SemaphoreType.DMA,
        ],
    )
    def sc_copy(table_hbm, out_hbm, buf0, buf1, rsem, wsem0, wsem1):
        wid = lax.axis_index("c") * 16 + lax.axis_index("s")
        base = wid * rows_per_w
        bufs = (buf0, buf1)
        wsems = (wsem0, wsem1)
        reads = [None] * n_chunks
        writes = [[] for _ in range(n_chunks)]

        reads[0] = pltpu.async_copy(
            table_hbm.at[pl.ds(base, _CHUNK_ROWS)], buf0, rsem)
        for i in range(n_chunks):
            buf = bufs[i % 2]
            reads[i].wait()
            if i + 1 < n_chunks:
                for h in writes[i - 1] if i >= 1 else ():
                    h.wait()
                reads[i + 1] = pltpu.async_copy(
                    table_hbm.at[pl.ds(base + (i + 1) * _CHUNK_ROWS,
                                       _CHUNK_ROWS)],
                    bufs[(i + 1) % 2], rsem)
            row0 = base + i * _CHUNK_ROWS
            for b in range(batch):
                writes[i].append(pltpu.async_copy(
                    buf, out_hbm.at[b].at[pl.ds(row0, _CHUNK_ROWS)],
                    wsems[i % 2]))
        for i in (n_chunks - 2, n_chunks - 1):
            if i >= 0:
                for h in writes[i]:
                    h.wait()

    return sc_copy


def kernel(input_ids, table):
    batch, seq_len = input_ids.shape
    max_pos, d_model = table.shape
    sc_copy = _make_sc_copy(batch, seq_len, d_model, table.dtype)
    return sc_copy(table)

# --- scband reference (transcript-rebuilt; emitter-appended) ---
"""Pipeline reference for scband-position-embedding-18494129176840 (READ-ONLY COPY).

The authoritative reference and input builder live on the scoring server;
editing this copy changes nothing except your own understanding.
"""

import jax, jax.numpy as jnp
import numpy as np

MAX_POS = 8192
D_MODEL = 1024
BATCH = 4
SEQ_LEN = 8192

def setup_inputs(seed: int = 0) -> dict:
    key = jax.random.key(seed)
    k1, k2 = jax.random.split(key)
    input_ids = jax.random.randint(k1, (BATCH, SEQ_LEN), 0, MAX_POS, dtype=jnp.int64 if jax.config.jax_enable_x64 else jnp.int32)
    table = jax.random.normal(k2, (MAX_POS, D_MODEL), dtype=jnp.float32) * 0.02
    return {"input_ids": input_ids, "table": table}

def reference(input_ids, table):
    batch_size, seq_len = input_ids.shape
    position_ids = jnp.arange(seq_len, dtype=input_ids.dtype)
    position_ids = jnp.broadcast_to(position_ids[None, :], (batch_size, seq_len))
    return jnp.take(table, position_ids, axis=0)

if __name__ == "__main__":
    import jax
    _d = setup_inputs()
    print(jax.jit(kernel)(*tuple(_d.values())))

</pallas_src>

<mosaic_0001>
#map = affine_map<(d0, d1) -> (0, 0)>
#map1 = affine_map<(d0, d1) -> (0, 0, 0)>
module attributes {stable_mosaic.version = 14 : i64} {
  func.func @sc_copy(%arg0: i32, %arg1: i32, %arg2: memref<8192x1024xf32, #tpu.memory_space<hbm>>, %arg3: memref<4x8192x1024xf32, #tpu.memory_space<hbm>>, %arg4: memref<64x1024xf32, #tpu.memory_space<vmem>>, %arg5: memref<64x1024xf32, #tpu.memory_space<vmem>>, %arg6: memref<!tpu.dma_semaphore, #tpu.memory_space<semaphore_mem>>, %arg7: memref<!tpu.dma_semaphore, #tpu.memory_space<semaphore_mem>>, %arg8: memref<!tpu.dma_semaphore, #tpu.memory_space<semaphore_mem>>) attributes {dimension_semantics = [#tpu.dimension_semantics<core_parallel>, #tpu.dimension_semantics<subcore_parallel>], iteration_bounds = array<i64: 2, 16>, scalar_prefetch = 0 : i64, scratch_operands = 5 : i64, tpu.core_type = #tpu.core_type<sc_vector_subcore>, window_params = [{transform_indices = #map}, {transform_indices = #map1}]} {
    %mul3A = arith.constant 16 : i32
    %mul3A_0 = arith.muli %arg0, %mul3A : i32
    %add3A = arith.addi %mul3A_0, %arg1 : i32
    %mul3A_1 = arith.constant 256 : i32
    %mul3A_2 = arith.muli %add3A, %mul3A_1 : i32
    %dma_start3A = arith.constant 0 : i32
    %dma_start3A_3 = tpu.memref_slice %arg2[%mul3A_2, %dma_start3A] : memref<8192x1024xf32, #tpu.memory_space<hbm>> -> memref<64x1024xf32, #tpu.memory_space<hbm>>
    %dma_start3A_4 = arith.constant 0 : i32
    %dma_start3A_5 = tpu.memref_slice %arg2[%mul3A_2, %dma_start3A_4] : memref<8192x1024xf32, #tpu.memory_space<hbm>> -> memref<64x1024xf32, #tpu.memory_space<hbm>>
    tpu.enqueue_dma source(%dma_start3A_5 : memref<64x1024xf32, #tpu.memory_space<hbm>>) target(%arg4 : memref<64x1024xf32, #tpu.memory_space<vmem>>) target_semaphore(%arg6 : memref<!tpu.dma_semaphore, #tpu.memory_space<semaphore_mem>>)
    %dma_wait3A = arith.constant 0 : i32
    %dma_wait3A_6 = tpu.memref_slice %arg2[%mul3A_2, %dma_wait3A] : memref<8192x1024xf32, #tpu.memory_space<hbm>> -> memref<64x1024xf32, #tpu.memory_space<hbm>>
    %dma_wait3A_7 = arith.constant 0 : i32
    %dma_wait3A_8 = tpu.memref_slice %arg2[%mul3A_2, %dma_wait3A_7] : memref<8192x1024xf32, #tpu.memory_space<hbm>> -> memref<64x1024xf32, #tpu.memory_space<hbm>>
    tpu.wait_dma2 semaphore(%arg6 : memref<!tpu.dma_semaphore, #tpu.memory_space<semaphore_mem>>) src(%dma_wait3A_8 : memref<64x1024xf32, #tpu.memory_space<hbm>>) dst(%arg4 : memref<64x1024xf32, #tpu.memory_space<vmem>>)
    %add3A_9 = arith.constant 64 : i32
    %add3A_10 = arith.addi %mul3A_2, %add3A_9 : i32
    %dma_start3A_11 = arith.constant 0 : i32
    %dma_start3A_12 = tpu.memref_slice %arg2[%add3A_10, %dma_start3A_11] : memref<8192x1024xf32, #tpu.memory_space<hbm>> -> memref<64x1024xf32, #tpu.memory_space<hbm>>
    %dma_start3A_13 = arith.constant 0 : i32
    %dma_start3A_14 = tpu.memref_slice %arg2[%add3A_10, %dma_start3A_13] : memref<8192x1024xf32, #tpu.memory_space<hbm>> -> memref<64x1024xf32, #tpu.memory_space<hbm>>
    tpu.enqueue_dma source(%dma_start3A_14 : memref<64x1024xf32, #tpu.memory_space<hbm>>) target(%arg5 : memref<64x1024xf32, #tpu.memory_space<vmem>>) target_semaphore(%arg6 : memref<!tpu.dma_semaphore, #tpu.memory_space<semaphore_mem>>)
    %add3A_15 = arith.constant 0 : i32
    %add3A_16 = arith.addi %mul3A_2, %add3A_15 : i32
    %dma_start3A_17 = arith.constant 0 : i32
    %dma_start3A_18 = arith.constant 0 : i32
    %dma_start3A_19 = arith.constant 0 : i32
    %dma_start3A_20 = tpu.memref_slice %arg3[%dma_start3A_17, %dma_start3A_18, %dma_start3A_19] : memref<4x8192x1024xf32, #tpu.memory_space<hbm>> -> memref<1x8192x1024xf32, #tpu.memory_space<hbm>>
    %dma_start3A_21 = tpu.memref_squeeze %dma_start3A_20 : memref<1x8192x1024xf32, #tpu.memory_space<hbm>> -> memref<8192x1024xf32, #tpu.memory_space<hbm>>
    %dma_start3A_22 = arith.constant 0 : i32
    %dma_start3A_23 = tpu.memref_slice %dma_start3A_21[%add3A_16, %dma_start3A_22] : memref<8192x1024xf32, #tpu.memory_space<hbm>> -> memref<64x1024xf32, #tpu.memory_space<hbm>>
    %dma_start3A_24 = arith.constant 0 : i32
    %dma_start3A_25 = arith.constant 0 : i32
    %dma_start3A_26 = tpu.memref_slice %arg3[%dma_start3A_17, %dma_start3A_24, %dma_start3A_25] : memref<4x8192x1024xf32, #tpu.memory_space<hbm>> -> memref<1x8192x1024xf32, #tpu.memory_space<hbm>>
    %dma_start3A_27 = tpu.memref_squeeze %dma_start3A_26 : memref<1x8192x1024xf32, #tpu.memory_space<hbm>> -> memref<8192x1024xf32, #tpu.memory_space<hbm>>
    %dma_start3A_28 = arith.constant 0 : i32
    %dma_start3A_29 = tpu.memref_slice %dma_start3A_27[%add3A_16, %dma_start3A_28] : memref<8192x1024xf32, #tpu.memory_space<hbm>> -> memref<64x1024xf32, #tpu.memory_space<hbm>>
    tpu.enqueue_dma source(%arg4 : memref<64x1024xf32, #tpu.memory_space<vmem>>) target(%dma_start3A_29 : memref<64x1024xf32, #tpu.memory_space<hbm>>) target_semaphore(%arg7 : memref<!tpu.dma_semaphore, #tpu.memory_space<semaphore_mem>>)
    %dma_start3A_30 = arith.constant 1 : i32
    %dma_start3A_31 = arith.constant 0 : i32
    %dma_start3A_32 = arith.constant 0 : i32
    %dma_start3A_33 = tpu.memref_slice %arg3[%dma_start3A_30, %dma_start3A_31, %dma_start3A_32] : memref<4x8192x1024xf32, #tpu.memory_space<hbm>> -> memref<1x8192x1024xf32, #tpu.memory_space<hbm>>
    %dma_start3A_34 = tpu.memref_squeeze %dma_start3A_33 : memref<1x8192x1024xf32, #tpu.memory_space<hbm>> -> memref<8192x1024xf32, #tpu.memory_space<hbm>>
    %dma_start3A_35 = arith.constant 0 : i32
    %dma_start3A_36 = tpu.memref_slice %dma_start3A_34[%add3A_16, %dma_start3A_35] : memref<8192x1024xf32, #tpu.memory_space<hbm>> -> memref<64x1024xf32, #tpu.memory_space<hbm>>
    %dma_start3A_37 = arith.constant 0 : i32
    %dma_start3A_38 = arith.constant 0 : i32
    %dma_start3A_39 = tpu.memref_slice %arg3[%dma_start3A_30, %dma_start3A_37, %dma_start3A_38] : memref<4x8192x1024xf32, #tpu.memory_space<hbm>> -> memref<1x8192x1024xf32, #tpu.memory_space<hbm>>
    %dma_start3A_40 = tpu.memref_squeeze %dma_start3A_39 : memref<1x8192x1024xf32, #tpu.memory_space<hbm>> -> memref<8192x1024xf32, #tpu.memory_space<hbm>>
    %dma_start3A_41 = arith.constant 0 : i32
    %dma_start3A_42 = tpu.memref_slice %dma_start3A_40[%add3A_16, %dma_start3A_41] : memref<8192x1024xf32, #tpu.memory_space<hbm>> -> memref<64x1024xf32, #tpu.memory_space<hbm>>
    tpu.enqueue_dma source(%arg4 : memref<64x1024xf32, #tpu.memory_space<vmem>>) target(%dma_start3A_42 : memref<64x1024xf32, #tpu.memory_space<hbm>>) target_semaphore(%arg7 : memref<!tpu.dma_semaphore, #tpu.memory_space<semaphore_mem>>)
    %dma_start3A_43 = arith.constant 2 : i32
    %dma_start3A_44 = arith.constant 0 : i32
    %dma_start3A_45 = arith.constant 0 : i32
    %dma_start3A_46 = tpu.memref_slice %arg3[%dma_start3A_43, %dma_start3A_44, %dma_start3A_45] : memref<4x8192x1024xf32, #tpu.memory_space<hbm>> -> memref<1x8192x1024xf32, #tpu.memory_space<hbm>>
    %dma_start3A_47 = tpu.memref_squeeze %dma_start3A_46 : memref<1x8192x1024xf32, #tpu.memory_space<hbm>> -> memref<8192x1024xf32, #tpu.memory_space<hbm>>
    %dma_start3A_48 = arith.constant 0 : i32
    %dma_start3A_49 = tpu.memref_slice %dma_start3A_47[%add3A_16, %dma_start3A_48] : memref<8192x1024xf32, #tpu.memory_space<hbm>> -> memref<64x1024xf32, #tpu.memory_space<hbm>>
    %dma_start3A_50 = arith.constant 0 : i32
    %dma_start3A_51 = arith.constant 0 : i32
    %dma_start3A_52 = tpu.memref_slice %arg3[%dma_start3A_43, %dma_start3A_50, %dma_start3A_51] : memref<4x8192x1024xf32, #tpu.memory_space<hbm>> -> memref<1x8192x1024xf32, #tpu.memory_space<hbm>>
    %dma_start3A_53 = tpu.memref_squeeze %dma_start3A_52 : memref<1x8192x1024xf32, #tpu.memory_space<hbm>> -> memref<8192x1024xf32, #tpu.memory_space<hbm>>
    %dma_start3A_54 = arith.constant 0 : i32
    %dma_start3A_55 = tpu.memref_slice %dma_start3A_53[%add3A_16, %dma_start3A_54] : memref<8192x1024xf32, #tpu.memory_space<hbm>> -> memref<64x1024xf32, #tpu.memory_space<hbm>>
    tpu.enqueue_dma source(%arg4 : memref<64x1024xf32, #tpu.memory_space<vmem>>) target(%dma_start3A_55 : memref<64x1024xf32, #tpu.memory_space<hbm>>) target_semaphore(%arg7 : memref<!tpu.dma_semaphore, #tpu.memory_space<semaphore_mem>>)
    %dma_start3A_56 = arith.constant 3 : i32
    %dma_start3A_57 = arith.constant 0 : i32
    %dma_start3A_58 = arith.constant 0 : i32
    %dma_start3A_59 = tpu.memref_slice %arg3[%dma_start3A_56, %dma_start3A_57, %dma_start3A_58] : memref<4x8192x1024xf32, #tpu.memory_space<hbm>> -> memref<1x8192x1024xf32, #tpu.memory_space<hbm>>
    %dma_start3A_60 = tpu.memref_squeeze %dma_start3A_59 : memref<1x8192x1024xf32, #tpu.memory_space<hbm>> -> memref<8192x1024xf32, #tpu.memory_space<hbm>>
    %dma_start3A_61 = arith.constant 0 : i32
    %dma_start3A_62 = tpu.memref_slice %dma_start3A_60[%add3A_16, %dma_start3A_61] : memref<8192x1024xf32, #tpu.memory_space<hbm>> -> memref<64x1024xf32, #tpu.memory_space<hbm>>
    %dma_start3A_63 = arith.constant 0 : i32
    %dma_start3A_64 = arith.constant 0 : i32
    %dma_start3A_65 = tpu.memref_slice %arg3[%dma_start3A_56, %dma_start3A_63, %dma_start3A_64] : memref<4x8192x1024xf32, #tpu.memory_space<hbm>> -> memref<1x8192x1024xf32, #tpu.memory_space<hbm>>
    %dma_start3A_66 = tpu.memref_squeeze %dma_start3A_65 : memref<1x8192x1024xf32, #tpu.memory_space<hbm>> -> memref<8192x1024xf32, #tpu.memory_space<hbm>>
    %dma_start3A_67 = arith.constant 0 : i32
    %dma_start3A_68 = tpu.memref_slice %dma_start3A_66[%add3A_16, %dma_start3A_67] : memref<8192x1024xf32, #tpu.memory_space<hbm>> -> memref<64x1024xf32, #tpu.memory_space<hbm>>
    tpu.enqueue_dma source(%arg4 : memref<64x1024xf32, #tpu.memory_space<vmem>>) target(%dma_start3A_68 : memref<64x1024xf32, #tpu.memory_space<hbm>>) target_semaphore(%arg7 : memref<!tpu.dma_semaphore, #tpu.memory_space<semaphore_mem>>)
    %dma_wait3A_69 = arith.constant 0 : i32
    %dma_wait3A_70 = tpu.memref_slice %arg2[%add3A_10, %dma_wait3A_69] : memref<8192x1024xf32, #tpu.memory_space<hbm>> -> memref<64x1024xf32, #tpu.memory_space<hbm>>
    %dma_wait3A_71 = arith.constant 0 : i32
    %dma_wait3A_72 = tpu.memref_slice %arg2[%add3A_10, %dma_wait3A_71] : memref<8192x1024xf32, #tpu.memory_space<hbm>> -> memref<64x1024xf32, #tpu.memory_space<hbm>>
    tpu.wait_dma2 semaphore(%arg6 : memref<!tpu.dma_semaphore, #tpu.memory_space<semaphore_mem>>) src(%dma_wait3A_72 : memref<64x1024xf32, #tpu.memory_space<hbm>>) dst(%arg5 : memref<64x1024xf32, #tpu.memory_space<vmem>>)
    %dma_wait3A_73 = arith.constant 0 : i32
    %dma_wait3A_74 = arith.constant 0 : i32
    %dma_wait3A_75 = arith.constant 0 : i32
    %dma_wait3A_76 = tpu.memref_slice %arg3[%dma_wait3A_73, %dma_wait3A_74, %dma_wait3A_75] : memref<4x8192x1024xf32, #tpu.memory_space<hbm>> -> memref<1x8192x1024xf32, #tpu.memory_space<hbm>>
    %dma_wait3A_77 = tpu.memref_squeeze %dma_wait3A_76 : memref<1x8192x1024xf32, #tpu.memory_space<hbm>> -> memref<8192x1024xf32, #tpu.memory_space<hbm>>
    %dma_wait3A_78 = arith.constant 0 : i32
    %dma_wait3A_79 = tpu.memref_slice %dma_wait3A_77[%add3A_16, %dma_wait3A_78] : memref<8192x1024xf32, #tpu.memory_space<hbm>> -> memref<64x1024xf32, #tpu.memory_space<hbm>>
    %dma_wait3A_80 = arith.constant 0 : i32
    %dma_wait3A_81 = arith.constant 0 : i32
    %dma_wait3A_82 = tpu.memref_slice %arg3[%dma_wait3A_73, %dma_wait3A_80, %dma_wait3A_81] : memref<4x8192x1024xf32, #tpu.memory_space<hbm>> -> memref<1x8192x1024xf32, #tpu.memory_space<hbm>>
    %dma_wait3A_83 = tpu.memref_squeeze %dma_wait3A_82 : memref<1x8192x1024xf32, #tpu.memory_space<hbm>> -> memref<8192x1024xf32, #tpu.memory_space<hbm>>
    %dma_wait3A_84 = arith.constant 0 : i32
    %dma_wait3A_85 = tpu.memref_slice %dma_wait3A_83[%add3A_16, %dma_wait3A_84] : memref<8192x1024xf32, #tpu.memory_space<hbm>> -> memref<64x1024xf32, #tpu.memory_space<hbm>>
    tpu.wait_dma2 semaphore(%arg7 : memref<!tpu.dma_semaphore, #tpu.memory_space<semaphore_mem>>) src(%arg4 : memref<64x1024xf32, #tpu.memory_space<vmem>>) dst(%dma_wait3A_85 : memref<64x1024xf32, #tpu.memory_space<hbm>>)
    %dma_wait3A_86 = arith.constant 1 : i32
    %dma_wait3A_87 = arith.constant 0 : i32
    %dma_wait3A_88 = arith.constant 0 : i32
    %dma_wait3A_89 = tpu.memref_slice %arg3[%dma_wait3A_86, %dma_wait3A_87, %dma_wait3A_88] : memref<4x8192x1024xf32, #tpu.memory_space<hbm>> -> memref<1x8192x1024xf32, #tpu.memory_space<hbm>>
    %dma_wait3A_90 = tpu.memref_squeeze %dma_wait3A_89 : memref<1x8192x1024xf32, #tpu.memory_space<hbm>> -> memref<8192x1024xf32, #tpu.memory_space<hbm>>
    %dma_wait3A_91 = arith.constant 0 : i32
    %dma_wait3A_92 = tpu.memref_slice %dma_wait3A_90[%add3A_16, %dma_wait3A_91] : memref<8192x1024xf32, #tpu.memory_space<hbm>> -> memref<64x1024xf32, #tpu.memory_space<hbm>>
    %dma_wait3A_93 = arith.constant 0 : i32
    %dma_wait3A_94 = arith.constant 0 : i32
    %dma_wait3A_95 = tpu.memref_slice %arg3[%dma_wait3A_86, %dma_wait3A_93, %dma_wait3A_94] : memref<4x8192x1024xf32, #tpu.memory_space<hbm>> -> memref<1x8192x1024xf32, #tpu.memory_space<hbm>>
    %dma_wait3A_96 = tpu.memref_squeeze %dma_wait3A_95 : memref<1x8192x1024xf32, #tpu.memory_space<hbm>> -> memref<8192x1024xf32, #tpu.memory_space<hbm>>
    %dma_wait3A_97 = arith.constant 0 : i32
    %dma_wait3A_98 = tpu.memref_slice %dma_wait3A_96[%add3A_16, %dma_wait3A_97] : memref<8192x1024xf32, #tpu.memory_space<hbm>> -> memref<64x1024xf32, #tpu.memory_space<hbm>>
    tpu.wait_dma2 semaphore(%arg7 : memref<!tpu.dma_semaphore, #tpu.memory_space<semaphore_mem>>) src(%arg4 : memref<64x1024xf32, #tpu.memory_space<vmem>>) dst(%dma_wait3A_98 : memref<64x1024xf32, #tpu.memory_space<hbm>>)
    %dma_wait3A_99 = arith.constant 2 : i32
    %dma_wait3A_100 = arith.constant 0 : i32
    %dma_wait3A_101 = arith.constant 0 : i32
    %dma_wait3A_102 = tpu.memref_slice %arg3[%dma_wait3A_99, %dma_wait3A_100, %dma_wait3A_101] : memref<4x8192x1024xf32, #tpu.memory_space<hbm>> -> memref<1x8192x1024xf32, #tpu.memory_space<hbm>>
    %dma_wait3A_103 = tpu.memref_squeeze %dma_wait3A_102 : memref<1x8192x1024xf32, #tpu.memory_space<hbm>> -> memref<8192x1024xf32, #tpu.memory_space<hbm>>
    %dma_wait3A_104 = arith.constant 0 : i32
    %dma_wait3A_105 = tpu.memref_slice %dma_wait3A_103[%add3A_16, %dma_wait3A_104] : memref<8192x1024xf32, #tpu.memory_space<hbm>> -> memref<64x1024xf32, #tpu.memory_space<hbm>>
    %dma_wait3A_106 = arith.constant 0 : i32
    %dma_wait3A_107 = arith.constant 0 : i32
    %dma_wait3A_108 = tpu.memref_slice %arg3[%dma_wait3A_99, %dma_wait3A_106, %dma_wait3A_107] : memref<4x8192x1024xf32, #tpu.memory_space<hbm>> -> memref<1x8192x1024xf32, #tpu.memory_space<hbm>>
    %dma_wait3A_109 = tpu.memref_squeeze %dma_wait3A_108 : memref<1x8192x1024xf32, #tpu.memory_space<hbm>> -> memref<8192x1024xf32, #tpu.memory_space<hbm>>
    %dma_wait3A_110 = arith.constant 0 : i32
    %dma_wait3A_111 = tpu.memref_slice %dma_wait3A_109[%add3A_16, %dma_wait3A_110] : memref<8192x1024xf32, #tpu.memory_space<hbm>> -> memref<64x1024xf32, #tpu.memory_space<hbm>>
    tpu.wait_dma2 semaphore(%arg7 : memref<!tpu.dma_semaphore, #tpu.memory_space<semaphore_mem>>) src(%arg4 : memref<64x1024xf32, #tpu.memory_space<vmem>>) dst(%dma_wait3A_111 : memref<64x1024xf32, #tpu.memory_space<hbm>>)
    %dma_wait3A_112 = arith.constant 3 : i32
    %dma_wait3A_113 = arith.constant 0 : i32
    %dma_wait3A_114 = arith.constant 0 : i32
    %dma_wait3A_115 = tpu.memref_slice %arg3[%dma_wait3A_112, %dma_wait3A_113, %dma_wait3A_114] : memref<4x8192x1024xf32, #tpu.memory_space<hbm>> -> memref<1x8192x1024xf32, #tpu.memory_space<hbm>>
    %dma_wait3A_116 = tpu.memref_squeeze %dma_wait3A_115 : memref<1x8192x1024xf32, #tpu.memory_space<hbm>> -> memref<8192x1024xf32, #tpu.memory_space<hbm>>
    %dma_wait3A_117 = arith.constant 0 : i32
    %dma_wait3A_118 = tpu.memref_slice %dma_wait3A_116[%add3A_16, %dma_wait3A_117] : memref<8192x1024xf32, #tpu.memory_space<hbm>> -> memref<64x1024xf32, #tpu.memory_space<hbm>>
    %dma_wait3A_119 = arith.constant 0 : i32
    %dma_wait3A_120 = arith.constant 0 : i32
    %dma_wait3A_121 = tpu.memref_slice %arg3[%dma_wait3A_112, %dma_wait3A_119, %dma_wait3A_120] : memref<4x8192x1024xf32, #tpu.memory_space<hbm>> -> memref<1x8192x1024xf32, #tpu.memory_space<hbm>>
    %dma_wait3A_122 = tpu.memref_squeeze %dma_wait3A_121 : memref<1x8192x1024xf32, #tpu.memory_space<hbm>> -> memref<8192x1024xf32, #tpu.memory_space<hbm>>
    %dma_wait3A_123 = arith.constant 0 : i32
    %dma_wait3A_124 = tpu.memref_slice %dma_wait3A_122[%add3A_16, %dma_wait3A_123] : memref<8192x1024xf32, #tpu.memory_space<hbm>> -> memref<64x1024xf32, #tpu.memory_space<hbm>>
    tpu.wait_dma2 semaphore(%arg7 : memref<!tpu.dma_semaphore, #tpu.memory_space<semaphore_mem>>) src(%arg4 : memref<64x1024xf32, #tpu.memory_space<vmem>>) dst(%dma_wait3A_124 : memref<64x1024xf32, #tpu.memory_space<hbm>>)
    %add3A_125 = arith.constant 128 : i32
    %add3A_126 = arith.addi %mul3A_2, %add3A_125 : i32
    %dma_start3A_127 = arith.constant 0 : i32
    %dma_start3A_128 = tpu.memref_slice %arg2[%add3A_126, %dma_start3A_127] : memref<8192x1024xf32, #tpu.memory_space<hbm>> -> memref<64x1024xf32, #tpu.memory_space<hbm>>
    %dma_start3A_129 = arith.constant 0 : i32
    %dma_start3A_130 = tpu.memref_slice %arg2[%add3A_126, %dma_start3A_129] : memref<8192x1024xf32, #tpu.memory_space<hbm>> -> memref<64x1024xf32, #tpu.memory_space<hbm>>
    tpu.enqueue_dma source(%dma_start3A_130 : memref<64x1024xf32, #tpu.memory_space<hbm>>) target(%arg4 : memref<64x1024xf32, #tpu.memory_space<vmem>>) target_semaphore(%arg6 : memref<!tpu.dma_semaphore, #tpu.memory_space<semaphore_mem>>)
    %add3A_131 = arith.constant 64 : i32
    %add3A_132 = arith.addi %mul3A_2, %add3A_131 : i32
    %dma_start3A_133 = arith.constant 0 : i32
    %dma_start3A_134 = arith.constant 0 : i32
    %dma_start3A_135 = arith.constant 0 : i32
    %dma_start3A_136 = tpu.memref_slice %arg3[%dma_start3A_133, %dma_start3A_134, %dma_start3A_135] : memref<4x8192x1024xf32, #tpu.memory_space<hbm>> -> memref<1x8192x1024xf32, #tpu.memory_space<hbm>>
    %dma_start3A_137 = tpu.memref_squeeze %dma_start3A_136 : memref<1x8192x1024xf32, #tpu.memory_space<hbm>> -> memref<8192x1024xf32, #tpu.memory_space<hbm>>
    %dma_start3A_138 = arith.constant 0 : i32
    %dma_start3A_139 = tpu.memref_slice %dma_start3A_137[%add3A_132, %dma_start3A_138] : memref<8192x1024xf32, #tpu.memory_space<hbm>> -> memref<64x1024xf32, #tpu.memory_space<hbm>>
    %dma_start3A_140 = arith.constant 0 : i32
    %dma_start3A_141 = arith.constant 0 : i32
    %dma_start3A_142 = tpu.memref_slice %arg3[%dma_start3A_133, %dma_start3A_140, %dma_start3A_141] : memref<4x8192x1024xf32, #tpu.memory_space<hbm>> -> memref<1x8192x1024xf32, #tpu.memory_space<hbm>>
    %dma_start3A_143 = tpu.memref_squeeze %dma_start3A_142 : memref<1x8192x1024xf32, #tpu.memory_space<hbm>> -> memref<8192x1024xf32, #tpu.memory_space<hbm>>
    %dma_start3A_144 = arith.constant 0 : i32
    %dma_start3A_145 = tpu.memref_slice %dma_start3A_143[%add3A_132, %dma_start3A_144] : memref<8192x1024xf32, #tpu.memory_space<hbm>> -> memref<64x1024xf32, #tpu.memory_space<hbm>>
    tpu.enqueue_dma source(%arg5 : memref<64x1024xf32, #tpu.memory_space<vmem>>) target(%dma_start3A_145 : memref<64x1024xf32, #tpu.memory_space<hbm>>) target_semaphore(%arg8 : memref<!tpu.dma_semaphore, #tpu.memory_space<semaphore_mem>>)
    %dma_start3A_146 = arith.constant 1 : i32
    %dma_start3A_147 = arith.constant 0 : i32
    %dma_start3A_148 = arith.constant 0 : i32
    %dma_start3A_149 = tpu.memref_slice %arg3[%dma_start3A_146, %dma_start3A_147, %dma_start3A_148] : memref<4x8192x1024xf32, #tpu.memory_space<hbm>> -> memref<1x8192x1024xf32, #tpu.memory_space<hbm>>
    %dma_start3A_150 = tpu.memref_squeeze %dma_start3A_149 : memref<1x8192x1024xf32, #tpu.memory_space<hbm>> -> memref<8192x1024xf32, #tpu.memory_space<hbm>>
    %dma_start3A_151 = arith.constant 0 : i32
    %dma_start3A_152 = tpu.memref_slice %dma_start3A_150[%add3A_132, %dma_start3A_151] : memref<8192x1024xf32, #tpu.memory_space<hbm>> -> memref<64x1024xf32, #tpu.memory_space<hbm>>
    %dma_start3A_153 = arith.constant 0 : i32
    %dma_start3A_154 = arith.constant 0 : i32
    %dma_start3A_155 = tpu.memref_slice %arg3[%dma_start3A_146, %dma_start3A_153, %dma_start3A_154] : memref<4x8192x1024xf32, #tpu.memory_space<hbm>> -> memref<1x8192x1024xf32, #tpu.memory_space<hbm>>
    %dma_start3A_156 = tpu.memref_squeeze %dma_start3A_155 : memref<1x8192x1024xf32, #tpu.memory_space<hbm>> -> memref<8192x1024xf32, #tpu.memory_space<hbm>>
    %dma_start3A_157 = arith.constant 0 : i32
    %dma_start3A_158 = tpu.memref_slice %dma_start3A_156[%add3A_132, %dma_start3A_157] : memref<8192x1024xf32, #tpu.memory_space<hbm>> -> memref<64x1024xf32, #tpu.memory_space<hbm>>
    tpu.enqueue_dma source(%arg5 : memref<64x1024xf32, #tpu.memory_space<vmem>>) target(%dma_start3A_158 : memref<64x1024xf32, #tpu.memory_space<hbm>>) target_semaphore(%arg8 : memref<!tpu.dma_semaphore, #tpu.memory_space<semaphore_mem>>)
    %dma_start3A_159 = arith.constant 2 : i32
    %dma_start3A_160 = arith.constant 0 : i32
    %dma_start3A_161 = arith.constant 0 : i32
    %dma_start3A_162 = tpu.memref_slice %arg3[%dma_start3A_159, %dma_start3A_160, %dma_start3A_161] : memref<4x8192x1024xf32, #tpu.memory_space<hbm>> -> memref<1x8192x1024xf32, #tpu.memory_space<hbm>>
    %dma_start3A_163 = tpu.memref_squeeze %dma_start3A_162 : memref<1x8192x1024xf32, #tpu.memory_space<hbm>> -> memref<8192x1024xf32, #tpu.memory_space<hbm>>
    %dma_start3A_164 = arith.constant 0 : i32
    %dma_start3A_165 = tpu.memref_slice %dma_start3A_163[%add3A_132, %dma_start3A_164] : memref<8192x1024xf32, #tpu.memory_space<hbm>> -> memref<64x1024xf32, #tpu.memory_space<hbm>>
    %dma_start3A_166 = arith.constant 0 : i32
    %dma_start3A_167 = arith.constant 0 : i32
    %dma_start3A_168 = tpu.memref_slice %arg3[%dma_start3A_159, %dma_start3A_166, %dma_start3A_167] : memref<4x8192x1024xf32, #tpu.memory_space<hbm>> -> memref<1x8192x1024xf32, #tpu.memory_space<hbm>>
    %dma_start3A_169 = tpu.memref_squeeze %dma_start3A_168 : memref<1x8192x1024xf32, #tpu.memory_space<hbm>> -> memref<8192x1024xf32, #tpu.memory_space<hbm>>
    %dma_start3A_170 = arith.constant 0 : i32
    %dma_start3A_171 = tpu.memref_slice %dma_start3A_169[%add3A_132, %dma_start3A_170] : memref<8192x1024xf32, #tpu.memory_space<hbm>> -> memref<64x1024xf32, #tpu.memory_space<hbm>>
    tpu.enqueue_dma source(%arg5 : memref<64x1024xf32, #tpu.memory_space<vmem>>) target(%dma_start3A_171 : memref<64x1024xf32, #tpu.memory_space<hbm>>) target_semaphore(%arg8 : memref<!tpu.dma_semaphore, #tpu.memory_space<semaphore_mem>>)
    %dma_start3A_172 = arith.constant 3 : i32
    %dma_start3A_173 = arith.constant 0 : i32
    %dma_start3A_174 = arith.constant 0 : i32
    %dma_start3A_175 = tpu.memref_slice %arg3[%dma_start3A_172, %dma_start3A_173, %dma_start3A_174] : memref<4x8192x1024xf32, #tpu.memory_space<hbm>> -> memref<1x8192x1024xf32, #tpu.memory_space<hbm>>
    %dma_start3A_176 = tpu.memref_squeeze %dma_start3A_175 : memref<1x8192x1024xf32, #tpu.memory_space<hbm>> -> memref<8192x1024xf32, #tpu.memory_space<hbm>>
    %dma_start3A_177 = arith.constant 0 : i32
    %dma_start3A_178 = tpu.memref_slice %dma_start3A_176[%add3A_132, %dma_start3A_177] : memref<8192x1024xf32, #tpu.memory_space<hbm>> -> memref<64x1024xf32, #tpu.memory_space<hbm>>
    %dma_start3A_179 = arith.constant 0 : i32
    %dma_start3A_180 = arith.constant 0 : i32
    %dma_start3A_181 = tpu.memref_slice %arg3[%dma_start3A_172, %dma_start3A_179, %dma_start3A_180] : memref<4x8192x1024xf32, #tpu.memory_space<hbm>> -> memref<1x8192x1024xf32, #tpu.memory_space<hbm>>
    %dma_start3A_182 = tpu.memref_squeeze %dma_start3A_181 : memref<1x8192x1024xf32, #tpu.memory_space<hbm>> -> memref<8192x1024xf32, #tpu.memory_space<hbm>>
    %dma_start3A_183 = arith.constant 0 : i32
    %dma_start3A_184 = tpu.memref_slice %dma_start3A_182[%add3A_132, %dma_start3A_183] : memref<8192x1024xf32, #tpu.memory_space<hbm>> -> memref<64x1024xf32, #tpu.memory_space<hbm>>
    tpu.enqueue_dma source(%arg5 : memref<64x1024xf32, #tpu.memory_space<vmem>>) target(%dma_start3A_184 : memref<64x1024xf32, #tpu.memory_space<hbm>>) target_semaphore(%arg8 : memref<!tpu.dma_semaphore, #tpu.memory_space<semaphore_mem>>)
    %dma_wait3A_185 = arith.constant 0 : i32
    %dma_wait3A_186 = tpu.memref_slice %arg2[%add3A_126, %dma_wait3A_185] : memref<8192x1024xf32, #tpu.memory_space<hbm>> -> memref<64x1024xf32, #tpu.memory_space<hbm>>
    %dma_wait3A_187 = arith.constant 0 : i32
    %dma_wait3A_188 = tpu.memref_slice %arg2[%add3A_126, %dma_wait3A_187] : memref<8192x1024xf32, #tpu.memory_space<hbm>> -> memref<64x1024xf32, #tpu.memory_space<hbm>>
    tpu.wait_dma2 semaphore(%arg6 : memref<!tpu.dma_semaphore, #tpu.memory_space<semaphore_mem>>) src(%dma_wait3A_188 : memref<64x1024xf32, #tpu.memory_space<hbm>>) dst(%arg4 : memref<64x1024xf32, #tpu.memory_space<vmem>>)
    %dma_wait3A_189 = arith.constant 0 : i32
    %dma_wait3A_190 = arith.constant 0 : i32
    %dma_wait3A_191 = arith.constant 0 : i32
    %dma_wait3A_192 = tpu.memref_slice %arg3[%dma_wait3A_189, %dma_wait3A_190, %dma_wait3A_191] : memref<4x8192x1024xf32, #tpu.memory_space<hbm>> -> memref<1x8192x1024xf32, #tpu.memory_space<hbm>>
    %dma_wait3A_193 = tpu.memref_squeeze %dma_wait3A_192 : memref<1x8192x1024xf32, #tpu.memory_space<hbm>> -> memref<8192x1024xf32, #tpu.memory_space<hbm>>
    %dma_wait3A_194 = arith.constant 0 : i32
    %dma_wait3A_195 = tpu.memref_slice %dma_wait3A_193[%add3A_132, %dma_wait3A_194] : memref<8192x1024xf32, #tpu.memory_space<hbm>> -> memref<64x1024xf32, #tpu.memory_space<hbm>>
    %dma_wait3A_196 = arith.constant 0 : i32
    %dma_wait3A_197 = arith.constant 0 : i32
    %dma_wait3A_198 = tpu.memref_slice %arg3[%dma_wait3A_189, %dma_wait3A_196, %dma_wait3A_197] : memref<4x8192x1024xf32, #tpu.memory_space<hbm>> -> memref<1x8192x1024xf32, #tpu.memory_space<hbm>>
    %dma_wait3A_199 = tpu.memref_squeeze %dma_wait3A_198 : memref<1x8192x1024xf32, #tpu.memory_space<hbm>> -> memref<8192x1024xf32, #tpu.memory_space<hbm>>
    %dma_wait3A_200 = arith.constant 0 : i32
    %dma_wait3A_201 = tpu.memref_slice %dma_wait3A_199[%add3A_132, %dma_wait3A_200] : memref<8192x1024xf32, #tpu.memory_space<hbm>> -> memref<64x1024xf32, #tpu.memory_space<hbm>>
    tpu.wait_dma2 semaphore(%arg8 : memref<!tpu.dma_semaphore, #tpu.memory_space<semaphore_mem>>) src(%arg5 : memref<64x1024xf32, #tpu.memory_space<vmem>>) dst(%dma_wait3A_201 : memref<64x1024xf32, #tpu.memory_space<hbm>>)
    %dma_wait3A_202 = arith.constant 1 : i32
    %dma_wait3A_203 = arith.constant 0 : i32
    %dma_wait3A_204 = arith.constant 0 : i32
    %dma_wait3A_205 = tpu.memref_slice %arg3[%dma_wait3A_202, %dma_wait3A_203, %dma_wait3A_204] : memref<4x8192x1024xf32, #tpu.memory_space<hbm>> -> memref<1x8192x1024xf32, #tpu.memory_space<hbm>>
    %dma_wait3A_206 = tpu.memref_squeeze %dma_wait3A_205 : memref<1x8192x1024xf32, #tpu.memory_space<hbm>> -> memref<8192x1024xf32, #tpu.memory_space<hbm>>
    %dma_wait3A_207 = arith.constant 0 : i32
    %dma_wait3A_208 = tpu.memref_slice %dma_wait3A_206[%add3A_132, %dma_wait3A_207] : memref<8192x1024xf32, #tpu.memory_space<hbm>> -> memref<64x1024xf32, #tpu.memory_space<hbm>>
    %dma_wait3A_209 = arith.constant 0 : i32
    %dma_wait3A_210 = arith.constant 0 : i32
    %dma_wait3A_211 = tpu.memref_slice %arg3[%dma_wait3A_202, %dma_wait3A_209, %dma_wait3A_210] : memref<4x8192x1024xf32, #tpu.memory_space<hbm>> -> memref<1x8192x1024xf32, #tpu.memory_space<hbm>>
    %dma_wait3A_212 = tpu.memref_squeeze %dma_wait3A_211 : memref<1x8192x1024xf32, #tpu.memory_space<hbm>> -> memref<8192x1024xf32, #tpu.memory_space<hbm>>
    %dma_wait3A_213 = arith.constant 0 : i32
    %dma_wait3A_214 = tpu.memref_slice %dma_wait3A_212[%add3A_132, %dma_wait3A_213] : memref<8192x1024xf32, #tpu.memory_space<hbm>> -> memref<64x1024xf32, #tpu.memory_space<hbm>>
    tpu.wait_dma2 semaphore(%arg8 : memref<!tpu.dma_semaphore, #tpu.memory_space<semaphore_mem>>) src(%arg5 : memref<64x1024xf32, #tpu.memory_space<vmem>>) dst(%dma_wait3A_214 : memref<64x1024xf32, #tpu.memory_space<hbm>>)
    %dma_wait3A_215 = arith.constant 2 : i32
    %dma_wait3A_216 = arith.constant 0 : i32
    %dma_wait3A_217 = arith.constant 0 : i32
    %dma_wait3A_218 = tpu.memref_slice %arg3[%dma_wait3A_215, %dma_wait3A_216, %dma_wait3A_217] : memref<4x8192x1024xf32, #tpu.memory_space<hbm>> -> memref<1x8192x1024xf32, #tpu.memory_space<hbm>>
    %dma_wait3A_219 = tpu.memref_squeeze %dma_wait3A_218 : memref<1x8192x1024xf32, #tpu.memory_space<hbm>> -> memref<8192x1024xf32, #tpu.memory_space<hbm>>
    %dma_wait3A_220 = arith.constant 0 : i32
    %dma_wait3A_221 = tpu.memref_slice %dma_wait3A_219[%add3A_132, %dma_wait3A_220] : memref<8192x1024xf32, #tpu.memory_space<hbm>> -> memref<64x1024xf32, #tpu.memory_space<hbm>>
    %dma_wait3A_222 = arith.constant 0 : i32
    %dma_wait3A_223 = arith.constant 0 : i32
    %dma_wait3A_224 = tpu.memref_slice %arg3[%dma_wait3A_215, %dma_wait3A_222, %dma_wait3A_223] : memref<4x8192x1024xf32, #tpu.memory_space<hbm>> -> memref<1x8192x1024xf32, #tpu.memory_space<hbm>>
    %dma_wait3A_225 = tpu.memref_squeeze %dma_wait3A_224 : memref<1x8192x1024xf32, #tpu.memory_space<hbm>> -> memref<8192x1024xf32, #tpu.memory_space<hbm>>
    %dma_wait3A_226 = arith.constant 0 : i32
    %dma_wait3A_227 = tpu.memref_slice %dma_wait3A_225[%add3A_132, %dma_wait3A_226] : memref<8192x1024xf32, #tpu.memory_space<hbm>> -> memref<64x1024xf32, #tpu.memory_space<hbm>>
    tpu.wait_dma2 semaphore(%arg8 : memref<!tpu.dma_semaphore, #tpu.memory_space<semaphore_mem>>) src(%arg5 : memref<64x1024xf32, #tpu.memory_space<vmem>>) dst(%dma_wait3A_227 : memref<64x1024xf32, #tpu.memory_space<hbm>>)
    %dma_wait3A_228 = arith.constant 3 : i32
    %dma_wait3A_229 = arith.constant 0 : i32
    %dma_wait3A_230 = arith.constant 0 : i32
    %dma_wait3A_231 = tpu.memref_slice %arg3[%dma_wait3A_228, %dma_wait3A_229, %dma_wait3A_230] : memref<4x8192x1024xf32, #tpu.memory_space<hbm>> -> memref<1x8192x1024xf32, #tpu.memory_space<hbm>>
    %dma_wait3A_232 = tpu.memref_squeeze %dma_wait3A_231 : memref<1x8192x1024xf32, #tpu.memory_space<hbm>> -> memref<8192x1024xf32, #tpu.memory_space<hbm>>
    %dma_wait3A_233 = arith.constant 0 : i32
    %dma_wait3A_234 = tpu.memref_slice %dma_wait3A_232[%add3A_132, %dma_wait3A_233] : memref<8192x1024xf32, #tpu.memory_space<hbm>> -> memref<64x1024xf32, #tpu.memory_space<hbm>>
    %dma_wait3A_235 = arith.constant 0 : i32
    %dma_wait3A_236 = arith.constant 0 : i32
    %dma_wait3A_237 = tpu.memref_slice %arg3[%dma_wait3A_228, %dma_wait3A_235, %dma_wait3A_236] : memref<4x8192x1024xf32, #tpu.memory_space<hbm>> -> memref<1x8192x1024xf32, #tpu.memory_space<hbm>>
    %dma_wait3A_238 = tpu.memref_squeeze %dma_wait3A_237 : memref<1x8192x1024xf32, #tpu.memory_space<hbm>> -> memref<8192x1024xf32, #tpu.memory_space<hbm>>
    %dma_wait3A_239 = arith.constant 0 : i32
    %dma_wait3A_240 = tpu.memref_slice %dma_wait3A_238[%add3A_132, %dma_wait3A_239] : memref<8192x1024xf32, #tpu.memory_space<hbm>> -> memref<64x1024xf32, #tpu.memory_space<hbm>>
    tpu.wait_dma2 semaphore(%arg8 : memref<!tpu.dma_semaphore, #tpu.memory_space<semaphore_mem>>) src(%arg5 : memref<64x1024xf32, #tpu.memory_space<vmem>>) dst(%dma_wait3A_240 : memref<64x1024xf32, #tpu.memory_space<hbm>>)
    %add3A_241 = arith.constant 192 : i32
    %add3A_242 = arith.addi %mul3A_2, %add3A_241 : i32
    %dma_start3A_243 = arith.constant 0 : i32
    %dma_start3A_244 = tpu.memref_slice %arg2[%add3A_242, %dma_start3A_243] : memref<8192x1024xf32, #tpu.memory_space<hbm>> -> memref<64x1024xf32, #tpu.memory_space<hbm>>
    %dma_start3A_245 = arith.constant 0 : i32
    %dma_start3A_246 = tpu.memref_slice %arg2[%add3A_242, %dma_start3A_245] : memref<8192x1024xf32, #tpu.memory_space<hbm>> -> memref<64x1024xf32, #tpu.memory_space<hbm>>
    tpu.enqueue_dma source(%dma_start3A_246 : memref<64x1024xf32, #tpu.memory_space<hbm>>) target(%arg5 : memref<64x1024xf32, #tpu.memory_space<vmem>>) target_semaphore(%arg6 : memref<!tpu.dma_semaphore, #tpu.memory_space<semaphore_mem>>)
    %add3A_247 = arith.constant 128 : i32
    %add3A_248 = arith.addi %mul3A_2, %add3A_247 : i32
    %dma_start3A_249 = arith.constant 0 : i32
    %dma_start3A_250 = arith.constant 0 : i32
    %dma_start3A_251 = arith.constant 0 : i32
    %dma_start3A_252 = tpu.memref_slice %arg3[%dma_start3A_249, %dma_start3A_250, %dma_start3A_251] : memref<4x8192x1024xf32, #tpu.memory_space<hbm>> -> memref<1x8192x1024xf32, #tpu.memory_space<hbm>>
    %dma_start3A_253 = tpu.memref_squeeze %dma_start3A_252 : memref<1x8192x1024xf32, #tpu.memory_space<hbm>> -> memref<8192x1024xf32, #tpu.memory_space<hbm>>
    %dma_start3A_254 = arith.constant 0 : i32
    %dma_start3A_255 = tpu.memref_slice %dma_start3A_253[%add3A_248, %dma_start3A_254] : memref<8192x1024xf32, #tpu.memory_space<hbm>> -> memref<64x1024xf32, #tpu.memory_space<hbm>>
    %dma_start3A_256 = arith.constant 0 : i32
    %dma_start3A_257 = arith.constant 0 : i32
    %dma_start3A_258 = tpu.memref_slice %arg3[%dma_start3A_249, %dma_start3A_256, %dma_start3A_257] : memref<4x8192x1024xf32, #tpu.memory_space<hbm>> -> memref<1x8192x1024xf32, #tpu.memory_space<hbm>>
    %dma_start3A_259 = tpu.memref_squeeze %dma_start3A_258 : memref<1x8192x1024xf32, #tpu.memory_space<hbm>> -> memref<8192x1024xf32, #tpu.memory_space<hbm>>
    %dma_start3A_260 = arith.constant 0 : i32
    %dma_start3A_261 = tpu.memref_slice %dma_start3A_259[%add3A_248, %dma_start3A_260] : memref<8192x1024xf32, #tpu.memory_space<hbm>> -> memref<64x1024xf32, #tpu.memory_space<hbm>>
    tpu.enqueue_dma source(%arg4 : memref<64x1024xf32, #tpu.memory_space<vmem>>) target(%dma_start3A_261 : memref<64x1024xf32, #tpu.memory_space<hbm>>) target_semaphore(%arg7 : memref<!tpu.dma_semaphore, #tpu.memory_space<semaphore_mem>>)
    %dma_start3A_262 = arith.constant 1 : i32
    %dma_start3A_263 = arith.constant 0 : i32
    %dma_start3A_264 = arith.constant 0 : i32
    %dma_start3A_265 = tpu.memref_slice %arg3[%dma_start3A_262, %dma_start3A_263, %dma_start3A_264] : memref<4x8192x1024xf32, #tpu.memory_space<hbm>> -> memref<1x8192x1024xf32, #tpu.memory_space<hbm>>
    %dma_start3A_266 = tpu.memref_squeeze %dma_start3A_265 : memref<1x8192x1024xf32, #tpu.memory_space<hbm>> -> memref<8192x1024xf32, #tpu.memory_space<hbm>>
    %dma_start3A_267 = arith.constant 0 : i32
    %dma_start3A_268 = tpu.memref_slice %dma_start3A_266[%add3A_248, %dma_start3A_267] : memref<8192x1024xf32, #tpu.memory_space<hbm>> -> memref<64x1024xf32, #tpu.memory_space<hbm>>
    %dma_start3A_269 = arith.constant 0 : i32
    %dma_start3A_270 = arith.constant 0 : i32
    %dma_start3A_271 = tpu.memref_slice %arg3[%dma_start3A_262, %dma_start3A_269, %dma_start3A_270] : memref<4x8192x1024xf32, #tpu.memory_space<hbm>> -> memref<1x8192x1024xf32, #tpu.memory_space<hbm>>
    %dma_start3A_272 = tpu.memref_squeeze %dma_start3A_271 : memref<1x8192x1024xf32, #tpu.memory_space<hbm>> -> memref<8192x1024xf32, #tpu.memory_space<hbm>>
    %dma_start3A_273 = arith.constant 0 : i32
    %dma_start3A_274 = tpu.memref_slice %dma_start3A_272[%add3A_248, %dma_start3A_273] : memref<8192x1024xf32, #tpu.memory_space<hbm>> -> memref<64x1024xf32, #tpu.memory_space<hbm>>
    tpu.enqueue_dma source(%arg4 : memref<64x1024xf32, #tpu.memory_space<vmem>>) target(%dma_start3A_274 : memref<64x1024xf32, #tpu.memory_space<hbm>>) target_semaphore(%arg7 : memref<!tpu.dma_semaphore, #tpu.memory_space<semaphore_mem>>)
    %dma_start3A_275 = arith.constant 2 : i32
    %dma_start3A_276 = arith.constant 0 : i32
    %dma_start3A_277 = arith.constant 0 : i32
    %dma_start3A_278 = tpu.memref_slice %arg3[%dma_start3A_275, %dma_start3A_276, %dma_start3A_277] : memref<4x8192x1024xf32, #tpu.memory_space<hbm>> -> memref<1x8192x1024xf32, #tpu.memory_space<hbm>>
    %dma_start3A_279 = tpu.memref_squeeze %dma_start3A_278 : memref<1x8192x1024xf32, #tpu.memory_space<hbm>> -> memref<8192x1024xf32, #tpu.memory_space<hbm>>
    %dma_start3A_280 = arith.constant 0 : i32
    %dma_start3A_281 = tpu.memref_slice %dma_start3A_279[%add3A_248, %dma_start3A_280] : memref<8192x1024xf32, #tpu.memory_space<hbm>> -> memref<64x1024xf32, #tpu.memory_space<hbm>>
    %dma_start3A_282 = arith.constant 0 : i32
    %dma_start3A_283 = arith.constant 0 : i32
    %dma_start3A_284 = tpu.memref_slice %arg3[%dma_start3A_275, %dma_start3A_282, %dma_start3A_283] : memref<4x8192x1024xf32, #tpu.memory_space<hbm>> -> memref<1x8192x1024xf32, #tpu.memory_space<hbm>>
    %dma_start3A_285 = tpu.memref_squeeze %dma_start3A_284 : memref<1x8192x1024xf32, #tpu.memory_space<hbm>> -> memref<8192x1024xf32, #tpu.memory_space<hbm>>
    %dma_start3A_286 = arith.constant 0 : i32
    %dma_start3A_287 = tpu.memref_slice %dma_start3A_285[%add3A_248, %dma_start3A_286] : memref<8192x1024xf32, #tpu.memory_space<hbm>> -> memref<64x1024xf32, #tpu.memory_space<hbm>>
    tpu.enqueue_dma source(%arg4 : memref<64x1024xf32, #tpu.memory_space<vmem>>) target(%dma_start3A_287 : memref<64x1024xf32, #tpu.memory_space<hbm>>) target_semaphore(%arg7 : memref<!tpu.dma_semaphore, #tpu.memory_space<semaphore_mem>>)
    %dma_start3A_288 = arith.constant 3 : i32
    %dma_start3A_289 = arith.constant 0 : i32
    %dma_start3A_290 = arith.constant 0 : i32
    %dma_start3A_291 = tpu.memref_slice %arg3[%dma_start3A_288, %dma_start3A_289, %dma_start3A_290] : memref<4x8192x1024xf32, #tpu.memory_space<hbm>> -> memref<1x8192x1024xf32, #tpu.memory_space<hbm>>
    %dma_start3A_292 = tpu.memref_squeeze %dma_start3A_291 : memref<1x8192x1024xf32, #tpu.memory_space<hbm>> -> memref<8192x1024xf32, #tpu.memory_space<hbm>>
    %dma_start3A_293 = arith.constant 0 : i32
    %dma_start3A_294 = tpu.memref_slice %dma_start3A_292[%add3A_248, %dma_start3A_293] : memref<8192x1024xf32, #tpu.memory_space<hbm>> -> memref<64x1024xf32, #tpu.memory_space<hbm>>
    %dma_start3A_295 = arith.constant 0 : i32
    %dma_start3A_296 = arith.constant 0 : i32
    %dma_start3A_297 = tpu.memref_slice %arg3[%dma_start3A_288, %dma_start3A_295, %dma_start3A_296] : memref<4x8192x1024xf32, #tpu.memory_space<hbm>> -> memref<1x8192x1024xf32, #tpu.memory_space<hbm>>
    %dma_start3A_298 = tpu.memref_squeeze %dma_start3A_297 : memref<1x8192x1024xf32, #tpu.memory_space<hbm>> -> memref<8192x1024xf32, #tpu.memory_space<hbm>>
    %dma_start3A_299 = arith.constant 0 : i32
    %dma_start3A_300 = tpu.memref_slice %dma_start3A_298[%add3A_248, %dma_start3A_299] : memref<8192x1024xf32, #tpu.memory_space<hbm>> -> memref<64x1024xf32, #tpu.memory_space<hbm>>
    tpu.enqueue_dma source(%arg4 : memref<64x1024xf32, #tpu.memory_space<vmem>>) target(%dma_start3A_300 : memref<64x1024xf32, #tpu.memory_space<hbm>>) target_semaphore(%arg7 : memref<!tpu.dma_semaphore, #tpu.memory_space<semaphore_mem>>)
    %dma_wait3A_301 = arith.constant 0 : i32
    %dma_wait3A_302 = tpu.memref_slice %arg2[%add3A_242, %dma_wait3A_301] : memref<8192x1024xf32, #tpu.memory_space<hbm>> -> memref<64x1024xf32, #tpu.memory_space<hbm>>
    %dma_wait3A_303 = arith.constant 0 : i32
    %dma_wait3A_304 = tpu.memref_slice %arg2[%add3A_242, %dma_wait3A_303] : memref<8192x1024xf32, #tpu.memory_space<hbm>> -> memref<64x1024xf32, #tpu.memory_space<hbm>>
    tpu.wait_dma2 semaphore(%arg6 : memref<!tpu.dma_semaphore, #tpu.memory_space<semaphore_mem>>) src(%dma_wait3A_304 : memref<64x1024xf32, #tpu.memory_space<hbm>>) dst(%arg5 : memref<64x1024xf32, #tpu.memory_space<vmem>>)
    %add3A_305 = arith.constant 192 : i32
    %add3A_306 = arith.addi %mul3A_2, %add3A_305 : i32
    %dma_start3A_307 = arith.constant 0 : i32
    %dma_start3A_308 = arith.constant 0 : i32
    %dma_start3A_309 = arith.constant 0 : i32
    %dma_start3A_310 = tpu.memref_slice %arg3[%dma_start3A_307, %dma_start3A_308, %dma_start3A_309] : memref<4x8192x1024xf32, #tpu.memory_space<hbm>> -> memref<1x8192x1024xf32, #tpu.memory_space<hbm>>
    %dma_start3A_311 = tpu.memref_squeeze %dma_start3A_310 : memref<1x8192x1024xf32, #tpu.memory_space<hbm>> -> memref<8192x1024xf32, #tpu.memory_space<hbm>>
    %dma_start3A_312 = arith.constant 0 : i32
    %dma_start3A_313 = tpu.memref_slice %dma_start3A_311[%add3A_306, %dma_start3A_312] : memref<8192x1024xf32, #tpu.memory_space<hbm>> -> memref<64x1024xf32, #tpu.memory_space<hbm>>
    %dma_start3A_314 = arith.constant 0 : i32
    %dma_start3A_315 = arith.constant 0 : i32
    %dma_start3A_316 = tpu.memref_slice %arg3[%dma_start3A_307, %dma_start3A_314, %dma_start3A_315] : memref<4x8192x1024xf32, #tpu.memory_space<hbm>> -> memref<1x8192x1024xf32, #tpu.memory_space<hbm>>
    %dma_start3A_317 = tpu.memref_squeeze %dma_start3A_316 : memref<1x8192x1024xf32, #tpu.memory_space<hbm>> -> memref<8192x1024xf32, #tpu.memory_space<hbm>>
    %dma_start3A_318 = arith.constant 0 : i32
    %dma_start3A_319 = tpu.memref_slice %dma_start3A_317[%add3A_306, %dma_start3A_318] : memref<8192x1024xf32, #tpu.memory_space<hbm>> -> memref<64x1024xf32, #tpu.memory_space<hbm>>
    tpu.enqueue_dma source(%arg5 : memref<64x1024xf32, #tpu.memory_space<vmem>>) target(%dma_start3A_319 : memref<64x1024xf32, #tpu.memory_space<hbm>>) target_semaphore(%arg8 : memref<!tpu.dma_semaphore, #tpu.memory_space<semaphore_mem>>)
    %dma_start3A_320 = arith.constant 1 : i32
    %dma_start3A_321 = arith.constant 0 : i32
    %dma_start3A_322 = arith.constant 0 : i32
    %dma_start3A_323 = tpu.memref_slice %arg3[%dma_start3A_320, %dma_start3A_321, %dma_start3A_322] : memref<4x8192x1024xf32, #tpu.memory_space<hbm>> -> memref<1x8192x1024xf32, #tpu.memory_space<hbm>>
    %dma_start3A_324 = tpu.memref_squeeze %dma_start3A_323 : memref<1x8192x1024xf32, #tpu.memory_space<hbm>> -> memref<8192x1024xf32, #tpu.memory_space<hbm>>
    %dma_start3A_325 = arith.constant 0 : i32
    %dma_start3A_326 = tpu.memref_slice %dma_start3A_324[%add3A_306, %dma_start3A_325] : memref<8192x1024xf32, #tpu.memory_space<hbm>> -> memref<64x1024xf32, #tpu.memory_space<hbm>>
    %dma_start3A_327 = arith.constant 0 : i32
    %dma_start3A_328 = arith.constant 0 : i32
    %dma_start3A_329 = tpu.memref_slice %arg3[%dma_start3A_320, %dma_start3A_327, %dma_start3A_328] : memref<4x8192x1024xf32, #tpu.memory_space<hbm>> -> memref<1x8192x1024xf32, #tpu.memory_space<hbm>>
    %dma_start3A_330 = tpu.memref_squeeze %dma_start3A_329 : memref<1x8192x1024xf32, #tpu.memory_space<hbm>> -> memref<8192x1024xf32, #tpu.memory_space<hbm>>
    %dma_start3A_331 = arith.constant 0 : i32
    %dma_start3A_332 = tpu.memref_slice %dma_start3A_330[%add3A_306, %dma_start3A_331] : memref<8192x1024xf32, #tpu.memory_space<hbm>> -> memref<64x1024xf32, #tpu.memory_space<hbm>>
    tpu.enqueue_dma source(%arg5 : memref<64x1024xf32, #tpu.memory_space<vmem>>) target(%dma_start3A_332 : memref<64x1024xf32, #tpu.memory_space<hbm>>) target_semaphore(%arg8 : memref<!tpu.dma_semaphore, #tpu.memory_space<semaphore_mem>>)
    %dma_start3A_333 = arith.constant 2 : i32
    %dma_start3A_334 = arith.constant 0 : i32
    %dma_start3A_335 = arith.constant 0 : i32
    %dma_start3A_336 = tpu.memref_slice %arg3[%dma_start3A_333, %dma_start3A_334, %dma_start3A_335] : memref<4x8192x1024xf32, #tpu.memory_space<hbm>> -> memref<1x8192x1024xf32, #tpu.memory_space<hbm>>
    %dma_start3A_337 = tpu.memref_squeeze %dma_start3A_336 : memref<1x8192x1024xf32, #tpu.memory_space<hbm>> -> memref<8192x1024xf32, #tpu.memory_space<hbm>>
    %dma_start3A_338 = arith.constant 0 : i32
    %dma_start3A_339 = tpu.memref_slice %dma_start3A_337[%add3A_306, %dma_start3A_338] : memref<8192x1024xf32, #tpu.memory_space<hbm>> -> memref<64x1024xf32, #tpu.memory_space<hbm>>
    %dma_start3A_340 = arith.constant 0 : i32
    %dma_start3A_341 = arith.constant 0 : i32
    %dma_start3A_342 = tpu.memref_slice %arg3[%dma_start3A_333, %dma_start3A_340, %dma_start3A_341] : memref<4x8192x1024xf32, #tpu.memory_space<hbm>> -> memref<1x8192x1024xf32, #tpu.memory_space<hbm>>
    %dma_start3A_343 = tpu.memref_squeeze %dma_start3A_342 : memref<1x8192x1024xf32, #tpu.memory_space<hbm>> -> memref<8192x1024xf32, #tpu.memory_space<hbm>>
    %dma_start3A_344 = arith.constant 0 : i32
    %dma_start3A_345 = tpu.memref_slice %dma_start3A_343[%add3A_306, %dma_start3A_344] : memref<8192x1024xf32, #tpu.memory_space<hbm>> -> memref<64x1024xf32, #tpu.memory_space<hbm>>
    tpu.enqueue_dma source(%arg5 : memref<64x1024xf32, #tpu.memory_space<vmem>>) target(%dma_start3A_345 : memref<64x1024xf32, #tpu.memory_space<hbm>>) target_semaphore(%arg8 : memref<!tpu.dma_semaphore, #tpu.memory_space<semaphore_mem>>)
    %dma_start3A_346 = arith.constant 3 : i32
    %dma_start3A_347 = arith.constant 0 : i32
    %dma_start3A_348 = arith.constant 0 : i32
    %dma_start3A_349 = tpu.memref_slice %arg3[%dma_start3A_346, %dma_start3A_347, %dma_start3A_348] : memref<4x8192x1024xf32, #tpu.memory_space<hbm>> -> memref<1x8192x1024xf32, #tpu.memory_space<hbm>>
    %dma_start3A_350 = tpu.memref_squeeze %dma_start3A_349 : memref<1x8192x1024xf32, #tpu.memory_space<hbm>> -> memref<8192x1024xf32, #tpu.memory_space<hbm>>
    %dma_start3A_351 = arith.constant 0 : i32
    %dma_start3A_352 = tpu.memref_slice %dma_start3A_350[%add3A_306, %dma_start3A_351] : memref<8192x1024xf32, #tpu.memory_space<hbm>> -> memref<64x1024xf32, #tpu.memory_space<hbm>>
    %dma_start3A_353 = arith.constant 0 : i32
    %dma_start3A_354 = arith.constant 0 : i32
    %dma_start3A_355 = tpu.memref_slice %arg3[%dma_start3A_346, %dma_start3A_353, %dma_start3A_354] : memref<4x8192x1024xf32, #tpu.memory_space<hbm>> -> memref<1x8192x1024xf32, #tpu.memory_space<hbm>>
    %dma_start3A_356 = tpu.memref_squeeze %dma_start3A_355 : memref<1x8192x1024xf32, #tpu.memory_space<hbm>> -> memref<8192x1024xf32, #tpu.memory_space<hbm>>
    %dma_start3A_357 = arith.constant 0 : i32
    %dma_start3A_358 = tpu.memref_slice %dma_start3A_356[%add3A_306, %dma_start3A_357] : memref<8192x1024xf32, #tpu.memory_space<hbm>> -> memref<64x1024xf32, #tpu.memory_space<hbm>>
    tpu.enqueue_dma source(%arg5 : memref<64x1024xf32, #tpu.memory_space<vmem>>) target(%dma_start3A_358 : memref<64x1024xf32, #tpu.memory_space<hbm>>) target_semaphore(%arg8 : memref<!tpu.dma_semaphore, #tpu.memory_space<semaphore_mem>>)
    %dma_wait3A_359 = arith.constant 0 : i32
    %dma_wait3A_360 = arith.constant 0 : i32
    %dma_wait3A_361 = arith.constant 0 : i32
    %dma_wait3A_362 = tpu.memref_slice %arg3[%dma_wait3A_359, %dma_wait3A_360, %dma_wait3A_361] : memref<4x8192x1024xf32, #tpu.memory_space<hbm>> -> memref<1x8192x1024xf32, #tpu.memory_space<hbm>>
    %dma_wait3A_363 = tpu.memref_squeeze %dma_wait3A_362 : memref<1x8192x1024xf32, #tpu.memory_space<hbm>> -> memref<8192x1024xf32, #tpu.memory_space<hbm>>
    %dma_wait3A_364 = arith.constant 0 : i32
    %dma_wait3A_365 = tpu.memref_slice %dma_wait3A_363[%add3A_248, %dma_wait3A_364] : memref<8192x1024xf32, #tpu.memory_space<hbm>> -> memref<64x1024xf32, #tpu.memory_space<hbm>>
    %dma_wait3A_366 = arith.constant 0 : i32
    %dma_wait3A_367 = arith.constant 0 : i32
    %dma_wait3A_368 = tpu.memref_slice %arg3[%dma_wait3A_359, %dma_wait3A_366, %dma_wait3A_367] : memref<4x8192x1024xf32, #tpu.memory_space<hbm>> -> memref<1x8192x1024xf32, #tpu.memory_space<hbm>>
    %dma_wait3A_369 = tpu.memref_squeeze %dma_wait3A_368 : memref<1x8192x1024xf32, #tpu.memory_space<hbm>> -> memref<8192x1024xf32, #tpu.memory_space<hbm>>
    %dma_wait3A_370 = arith.constant 0 : i32
    %dma_wait3A_371 = tpu.memref_slice %dma_wait3A_369[%add3A_248, %dma_wait3A_370] : memref<8192x1024xf32, #tpu.memory_space<hbm>> -> memref<64x1024xf32, #tpu.memory_space<hbm>>
    tpu.wait_dma2 semaphore(%arg7 : memref<!tpu.dma_semaphore, #tpu.memory_space<semaphore_mem>>) src(%arg4 : memref<64x1024xf32, #tpu.memory_space<vmem>>) dst(%dma_wait3A_371 : memref<64x1024xf32, #tpu.memory_space<hbm>>)
    %dma_wait3A_372 = arith.constant 1 : i32
    %dma_wait3A_373 = arith.constant 0 : i32
    %dma_wait3A_374 = arith.constant 0 : i32
    %dma_wait3A_375 = tpu.memref_slice %arg3[%dma_wait3A_372, %dma_wait3A_373, %dma_wait3A_374] : memref<4x8192x1024xf32, #tpu.memory_space<hbm>> -> memref<1x8192x1024xf32, #tpu.memory_space<hbm>>
    %dma_wait3A_376 = tpu.memref_squeeze %dma_wait3A_375 : memref<1x8192x1024xf32, #tpu.memory_space<hbm>> -> memref<8192x1024xf32, #tpu.memory_space<hbm>>
    %dma_wait3A_377 = arith.constant 0 : i32
    %dma_wait3A_378 = tpu.memref_slice %dma_wait3A_376[%add3A_248, %dma_wait3A_377] : memref<8192x1024xf32, #tpu.memory_space<hbm>> -> memref<64x1024xf32, #tpu.memory_space<hbm>>
    %dma_wait3A_379 = arith.constant 0 : i32
    %dma_wait3A_380 = arith.constant 0 : i32
    %dma_wait3A_381 = tpu.memref_slice %arg3[%dma_wait3A_372, %dma_wait3A_379, %dma_wait3A_380] : memref<4x8192x1024xf32, #tpu.memory_space<hbm>> -> memref<1x8192x1024xf32, #tpu.memory_space<hbm>>
    %dma_wait3A_382 = tpu.memref_squeeze %dma_wait3A_381 : memref<1x8192x1024xf32, #tpu.memory_space<hbm>> -> memref<8192x1024xf32, #tpu.memory_space<hbm>>
    %dma_wait3A_383 = arith.constant 0 : i32
    %dma_wait3A_384 = tpu.memref_slice %dma_wait3A_382[%add3A_248, %dma_wait3A_383] : memref<8192x1024xf32, #tpu.memory_space<hbm>> -> memref<64x1024xf32, #tpu.memory_space<hbm>>
    tpu.wait_dma2 semaphore(%arg7 : memref<!tpu.dma_semaphore, #tpu.memory_space<semaphore_mem>>) src(%arg4 : memref<64x1024xf32, #tpu.memory_space<vmem>>) dst(%dma_wait3A_384 : memref<64x1024xf32, #tpu.memory_space<hbm>>)
    %dma_wait3A_385 = arith.constant 2 : i32
    %dma_wait3A_386 = arith.constant 0 : i32
    %dma_wait3A_387 = arith.constant 0 : i32
    %dma_wait3A_388 = tpu.memref_slice %arg3[%dma_wait3A_385, %dma_wait3A_386, %dma_wait3A_387] : memref<4x8192x1024xf32, #tpu.memory_space<hbm>> -> memref<1x8192x1024xf32, #tpu.memory_space<hbm>>
    %dma_wait3A_389 = tpu.memref_squeeze %dma_wait3A_388 : memref<1x8192x1024xf32, #tpu.memory_space<hbm>> -> memref<8192x1024xf32, #tpu.memory_space<hbm>>
    %dma_wait3A_390 = arith.constant 0 : i32
    %dma_wait3A_391 = tpu.memref_slice %dma_wait3A_389[%add3A_248, %dma_wait3A_390] : memref<8192x1024xf32, #tpu.memory_space<hbm>> -> memref<64x1024xf32, #tpu.memory_space<hbm>>
    %dma_wait3A_392 = arith.constant 0 : i32
    %dma_wait3A_393 = arith.constant 0 : i32
    %dma_wait3A_394 = tpu.memref_slice %arg3[%dma_wait3A_385, %dma_wait3A_392, %dma_wait3A_393] : memref<4x8192x1024xf32, #tpu.memory_space<hbm>> -> memref<1x8192x1024xf32, #tpu.memory_space<hbm>>
    %dma_wait3A_395 = tpu.memref_squeeze %dma_wait3A_394 : memref<1x8192x1024xf32, #tpu.memory_space<hbm>> -> memref<8192x1024xf32, #tpu.memory_space<hbm>>
    %dma_wait3A_396 = arith.constant 0 : i32
    %dma_wait3A_397 = tpu.memref_slice %dma_wait3A_395[%add3A_248, %dma_wait3A_396] : memref<8192x1024xf32, #tpu.memory_space<hbm>> -> memref<64x1024xf32, #tpu.memory_space<hbm>>
    tpu.wait_dma2 semaphore(%arg7 : memref<!tpu.dma_semaphore, #tpu.memory_space<semaphore_mem>>) src(%arg4 : memref<64x1024xf32, #tpu.memory_space<vmem>>) dst(%dma_wait3A_397 : memref<64x1024xf32, #tpu.memory_space<hbm>>)
    %dma_wait3A_398 = arith.constant 3 : i32
    %dma_wait3A_399 = arith.constant 0 : i32
    %dma_wait3A_400 = arith.constant 0 : i32
    %dma_wait3A_401 = tpu.memref_slice %arg3[%dma_wait3A_398, %dma_wait3A_399, %dma_wait3A_400] : memref<4x8192x1024xf32, #tpu.memory_space<hbm>> -> memref<1x8192x1024xf32, #tpu.memory_space<hbm>>
    %dma_wait3A_402 = tpu.memref_squeeze %dma_wait3A_401 : memref<1x8192x1024xf32, #tpu.memory_space<hbm>> -> memref<8192x1024xf32, #tpu.memory_space<hbm>>
    %dma_wait3A_403 = arith.constant 0 : i32
    %dma_wait3A_404 = tpu.memref_slice %dma_wait3A_402[%add3A_248, %dma_wait3A_403] : memref<8192x1024xf32, #tpu.memory_space<hbm>> -> memref<64x1024xf32, #tpu.memory_space<hbm>>
    %dma_wait3A_405 = arith.constant 0 : i32
    %dma_wait3A_406 = arith.constant 0 : i32
    %dma_wait3A_407 = tpu.memref_slice %arg3[%dma_wait3A_398, %dma_wait3A_405, %dma_wait3A_406] : memref<4x8192x1024xf32, #tpu.memory_space<hbm>> -> memref<1x8192x1024xf32, #tpu.memory_space<hbm>>
    %dma_wait3A_408 = tpu.memref_squeeze %dma_wait3A_407 : memref<1x8192x1024xf32, #tpu.memory_space<hbm>> -> memref<8192x1024xf32, #tpu.memory_space<hbm>>
    %dma_wait3A_409 = arith.constant 0 : i32
    %dma_wait3A_410 = tpu.memref_slice %dma_wait3A_408[%add3A_248, %dma_wait3A_409] : memref<8192x1024xf32, #tpu.memory_space<hbm>> -> memref<64x1024xf32, #tpu.memory_space<hbm>>
    tpu.wait_dma2 semaphore(%arg7 : memref<!tpu.dma_semaphore, #tpu.memory_space<semaphore_mem>>) src(%arg4 : memref<64x1024xf32, #tpu.memory_space<vmem>>) dst(%dma_wait3A_410 : memref<64x1024xf32, #tpu.memory_space<hbm>>)
    %dma_wait3A_411 = arith.constant 0 : i32
    %dma_wait3A_412 = arith.constant 0 : i32
    %dma_wait3A_413 = arith.constant 0 : i32
    %dma_wait3A_414 = tpu.memref_slice %arg3[%dma_wait3A_411, %dma_wait3A_412, %dma_wait3A_413] : memref<4x8192x1024xf32, #tpu.memory_space<hbm>> -> memref<1x8192x1024xf32, #tpu.memory_space<hbm>>
    %dma_wait3A_415 = tpu.memref_squeeze %dma_wait3A_414 : memref<1x8192x1024xf32, #tpu.memory_space<hbm>> -> memref<8192x1024xf32, #tpu.memory_space<hbm>>
    %dma_wait3A_416 = arith.constant 0 : i32
    %dma_wait3A_417 = tpu.memref_slice %dma_wait3A_415[%add3A_306, %dma_wait3A_416] : memref<8192x1024xf32, #tpu.memory_space<hbm>> -> memref<64x1024xf32, #tpu.memory_space<hbm>>
    %dma_wait3A_418 = arith.constant 0 : i32
    %dma_wait3A_419 = arith.constant 0 : i32
    %dma_wait3A_420 = tpu.memref_slice %arg3[%dma_wait3A_411, %dma_wait3A_418, %dma_wait3A_419] : memref<4x8192x1024xf32, #tpu.memory_space<hbm>> -> memref<1x8192x1024xf32, #tpu.memory_space<hbm>>
    %dma_wait3A_421 = tpu.memref_squeeze %dma_wait3A_420 : memref<1x8192x1024xf32, #tpu.memory_space<hbm>> -> memref<8192x1024xf32, #tpu.memory_space<hbm>>
    %dma_wait3A_422 = arith.constant 0 : i32
    %dma_wait3A_423 = tpu.memref_slice %dma_wait3A_421[%add3A_306, %dma_wait3A_422] : memref<8192x1024xf32, #tpu.memory_space<hbm>> -> memref<64x1024xf32, #tpu.memory_space<hbm>>
    tpu.wait_dma2 semaphore(%arg8 : memref<!tpu.dma_semaphore, #tpu.memory_space<semaphore_mem>>) src(%arg5 : memref<64x1024xf32, #tpu.memory_space<vmem>>) dst(%dma_wait3A_423 : memref<64x1024xf32, #tpu.memory_space<hbm>>)
    %dma_wait3A_424 = arith.constant 1 : i32
    %dma_wait3A_425 = arith.constant 0 : i32
    %dma_wait3A_426 = arith.constant 0 : i32
    %dma_wait3A_427 = tpu.memref_slice %arg3[%dma_wait3A_424, %dma_wait3A_425, %dma_wait3A_426] : memref<4x8192x1024xf32, #tpu.memory_space<hbm>> -> memref<1x8192x1024xf32, #tpu.memory_space<hbm>>
    %dma_wait3A_428 = tpu.memref_squeeze %dma_wait3A_427 : memref<1x8192x1024xf32, #tpu.memory_space<hbm>> -> memref<8192x1024xf32, #tpu.memory_space<hbm>>
    %dma_wait3A_429 = arith.constant 0 : i32
    %dma_wait3A_430 = tpu.memref_slice %dma_wait3A_428[%add3A_306, %dma_wait3A_429] : memref<8192x1024xf32, #tpu.memory_space<hbm>> -> memref<64x1024xf32, #tpu.memory_space<hbm>>
    %dma_wait3A_431 = arith.constant 0 : i32
    %dma_wait3A_432 = arith.constant 0 : i32
    %dma_wait3A_433 = tpu.memref_slice %arg3[%dma_wait3A_424, %dma_wait3A_431, %dma_wait3A_432] : memref<4x8192x1024xf32, #tpu.memory_space<hbm>> -> memref<1x8192x1024xf32, #tpu.memory_space<hbm>>
    %dma_wait3A_434 = tpu.memref_squeeze %dma_wait3A_433 : memref<1x8192x1024xf32, #tpu.memory_space<hbm>> -> memref<8192x1024xf32, #tpu.memory_space<hbm>>
    %dma_wait3A_435 = arith.constant 0 : i32
    %dma_wait3A_436 = tpu.memref_slice %dma_wait3A_434[%add3A_306, %dma_wait3A_435] : memref<8192x1024xf32, #tpu.memory_space<hbm>> -> memref<64x1024xf32, #tpu.memory_space<hbm>>
    tpu.wait_dma2 semaphore(%arg8 : memref<!tpu.dma_semaphore, #tpu.memory_space<semaphore_mem>>) src(%arg5 : memref<64x1024xf32, #tpu.memory_space<vmem>>) dst(%dma_wait3A_436 : memref<64x1024xf32, #tpu.memory_space<hbm>>)
    %dma_wait3A_437 = arith.constant 2 : i32
    %dma_wait3A_438 = arith.constant 0 : i32
    %dma_wait3A_439 = arith.constant 0 : i32
    %dma_wait3A_440 = tpu.memref_slice %arg3[%dma_wait3A_437, %dma_wait3A_438, %dma_wait3A_439] : memref<4x8192x1024xf32, #tpu.memory_space<hbm>> -> memref<1x8192x1024xf32, #tpu.memory_space<hbm>>
    %dma_wait3A_441 = tpu.memref_squeeze %dma_wait3A_440 : memref<1x8192x1024xf32, #tpu.memory_space<hbm>> -> memref<8192x1024xf32, #tpu.memory_space<hbm>>
    %dma_wait3A_442 = arith.constant 0 : i32
    %dma_wait3A_443 = tpu.memref_slice %dma_wait3A_441[%add3A_306, %dma_wait3A_442] : memref<8192x1024xf32, #tpu.memory_space<hbm>> -> memref<64x1024xf32, #tpu.memory_space<hbm>>
    %dma_wait3A_444 = arith.constant 0 : i32
    %dma_wait3A_445 = arith.constant 0 : i32
    %dma_wait3A_446 = tpu.memref_slice %arg3[%dma_wait3A_437, %dma_wait3A_444, %dma_wait3A_445] : memref<4x8192x1024xf32, #tpu.memory_space<hbm>> -> memref<1x8192x1024xf32, #tpu.memory_space<hbm>>
    %dma_wait3A_447 = tpu.memref_squeeze %dma_wait3A_446 : memref<1x8192x1024xf32, #tpu.memory_space<hbm>> -> memref<8192x1024xf32, #tpu.memory_space<hbm>>
    %dma_wait3A_448 = arith.constant 0 : i32
    %dma_wait3A_449 = tpu.memref_slice %dma_wait3A_447[%add3A_306, %dma_wait3A_448] : memref<8192x1024xf32, #tpu.memory_space<hbm>> -> memref<64x1024xf32, #tpu.memory_space<hbm>>
    tpu.wait_dma2 semaphore(%arg8 : memref<!tpu.dma_semaphore, #tpu.memory_space<semaphore_mem>>) src(%arg5 : memref<64x1024xf32, #tpu.memory_space<vmem>>) dst(%dma_wait3A_449 : memref<64x1024xf32, #tpu.memory_space<hbm>>)
    %dma_wait3A_450 = arith.constant 3 : i32
    %dma_wait3A_451 = arith.constant 0 : i32
    %dma_wait3A_452 = arith.constant 0 : i32
    %dma_wait3A_453 = tpu.memref_slice %arg3[%dma_wait3A_450, %dma_wait3A_451, %dma_wait3A_452] : memref<4x8192x1024xf32, #tpu.memory_space<hbm>> -> memref<1x8192x1024xf32, #tpu.memory_space<hbm>>
    %dma_wait3A_454 = tpu.memref_squeeze %dma_wait3A_453 : memref<1x8192x1024xf32, #tpu.memory_space<hbm>> -> memref<8192x1024xf32, #tpu.memory_space<hbm>>
    %dma_wait3A_455 = arith.constant 0 : i32
    %dma_wait3A_456 = tpu.memref_slice %dma_wait3A_454[%add3A_306, %dma_wait3A_455] : memref<8192x1024xf32, #tpu.memory_space<hbm>> -> memref<64x1024xf32, #tpu.memory_space<hbm>>
    %dma_wait3A_457 = arith.constant 0 : i32
    %dma_wait3A_458 = arith.constant 0 : i32
    %dma_wait3A_459 = tpu.memref_slice %arg3[%dma_wait3A_450, %dma_wait3A_457, %dma_wait3A_458] : memref<4x8192x1024xf32, #tpu.memory_space<hbm>> -> memref<1x8192x1024xf32, #tpu.memory_space<hbm>>
    %dma_wait3A_460 = tpu.memref_squeeze %dma_wait3A_459 : memref<1x8192x1024xf32, #tpu.memory_space<hbm>> -> memref<8192x1024xf32, #tpu.memory_space<hbm>>
    %dma_wait3A_461 = arith.constant 0 : i32
    %dma_wait3A_462 = tpu.memref_slice %dma_wait3A_460[%add3A_306, %dma_wait3A_461] : memref<8192x1024xf32, #tpu.memory_space<hbm>> -> memref<64x1024xf32, #tpu.memory_space<hbm>>
    tpu.wait_dma2 semaphore(%arg8 : memref<!tpu.dma_semaphore, #tpu.memory_space<semaphore_mem>>) src(%arg5 : memref<64x1024xf32, #tpu.memory_space<vmem>>) dst(%dma_wait3A_462 : memref<64x1024xf32, #tpu.memory_space<hbm>>)
    return
  }
}

</mosaic_0001>

<sc_bundles>
// kernel: kernel.3.cloned.1.call-start
scs
__scs_entry_jumppad:
0x0: {  	(pc) =	sbr.rel $0x88, $3  }
0x1: {  	(tag) =	ssettag $0x0;
	lr =	simm.s32 $0x1  }
0x2: {  	[smem:$0x3FA0] =	sst lr;
	_ =	strace $0xD0000000  }
0x3: {  	_ = 	snop  }
0x4: {  	_ = 	snop  }
0x5: {  	_ = 	snop  }
0x6: {  	_ = 	snop  }
0x7: {  	_ = 	snop  }
__scs_overlays_trampoline_lowered:
0x8: {  	[smem:$0x3FAF] =	sst s0  }
0x9: {  	[smem:$0x3FB0] =	sst s1  }
0xa: {  	[smem:$0x3FB1] =	sst s2  }
0xb: {  	[smem:$0x3FB2] =	sst s3  }
0xc: {  	[smem:$0x3FB3] =	sst s4  }
0xd: {  	[smem:$0x3FB4] =	sst s5  }
0xe: {  	[smem:$0x3FB5] =	sst s6  }
0xf: {  	[smem:$0x3FB6] =	sst s7  }
0x10: {  	[smem:$0x3FB7] =	sst s8  }
0x11: {  	[smem:$0x3FB8] =	sst s9;
	s0 =	simm.s32 @!p0 $0x0  }
0x12: {  	s1 =	sld [smem:$0x3F9E];
	s0 =	simm.s32 @p0 $0x1  }
0x13: {  	[smem:$0x3FB9] =	sst s0;
	s0 =	simm.s32 @!p1 $0x0  }
0x14: {  	s2 =	sld [smem:$0x3F9D];
	s0 =	simm.s32 @p1 $0x1  }
0x15: {  	[smem:$0x3FBA] =	sst s0;
	s0 =	simm.s32 @!p2 $0x0  }
0x16: {  	s3 =	sld [smem:$0x3FDB];
	s0 =	simm.s32 @p2 $0x1  }
0x17: {  	s4 =	simm.s32 $0x1BF5;
	[smem:$0x3FBC] =	sst s0  }
0x18: {  	s0 =	sld [smem:$0x3F9F];
	_ =	swait.ge [sflag:s4], $0x0  }
0x19: {  	s7 =	sld [smem:$0x3FA0]  }
0x1a: {  	s8 =	sadd.s32 $0xFFFFE003, lr  }
0x1b: {  	s9 =	sadd.s32 $0xFFFFFEF7, lr;
	s5 =	simm.s32 $0xFFFFFFFF;
	p2 =	slt.u32 s8, $0xFFFFF086  }
0x1c: {  	p1 =	slt.u32 s9, $0xF7A;
	s5 =	simm.s32 @!p2 $0x0  }
0x1d: {  	s5 =	simm.s32 @p1 $0x1;
	p0 =	seq.s32 s7, s2  }
0x1e: {  	s7 =	smul.u32 @!p0 $0xF7A, s2;
	p2 =	seq.s32 @!p0 s5, $0x0  }
0x1f: {  	s9 =	smul.u32 $0xF7A, s1;
	s8 =	simm.s32 @!p0 $0x1BF5;
	p2 =	por !p2, p0  }
0x20: {  	[sflag:s8] =	ssyncset.s32 @!p0 $0xFFFFF086;
	s6 =	sadd.s32 @!p0 s3, s7;
	s7 =	simm.s32 @!p0 $0x108  }
0x21: {  	s3 =	sadd.s32 s3, s9;
	s6 =	sadd.s32 @!p0 $0x88, s6;
	s7 =	simm.s32 @p2 $0x1082  }
0x22: {  	[simem:s7], [sflag:s8] =	dma.local @!p0 [hbm:s6], $0xF7A  }
0x23: {  	s9 =	sor.u32 $0xD0000000, s2;
	s6 =	simm.s32 $0x108;
	_ =	swait.ge @!p0 [sflag:s8], $0x0  }
0x24: {  	s3 =	sadd.s32 $0x88, s3;
	s6 =	simm.s32 @!p1 $0x1082;
	[sflag:s4] =	ssyncset.s32 $0xFFFFF086  }
0x25: {  	[simem:s6], [sflag:s4] =	dma.local [hbm:s3], $0xF7A  }
0x26: {  	[smem:$0x3FA0] =	sst s1;
	(tag) =	ssettag s2;
	_ =	strace s9  }
0x27: {  	s1 =	sld [smem:$0x3FB0]  }
0x28: {  	s2 =	sld [smem:$0x3FB1]  }
0x29: {  	s4 =	sld [smem:$0x3FB3]  }
0x2a: {  	p0 =	seq.s32 s5, $0x0;
	s5 =	sld [smem:$0x3FB4]  }
0x2b: {  	s6 =	sld [smem:$0x3FB5]  }
0x2c: {  	s7 =	sld [smem:$0x3FB6]  }
0x2d: {  	s3 =	simm.s32 $0x108;
	s8 =	sld [smem:$0x3FB7]  }
0x2e: {  	s3 =	simm.s32 @!p0 $0x1082;
	s9 =	sld [smem:$0x3FB8]  }
0x2f: {  	lr =	sadd.s32 s0, s3;
	s0 =	sld [smem:$0x3FAF]  }
0x30: {  	s3 =	sld [smem:$0x3FB2]  }
0x31: {  	[smem:$0x3FBB] =	sst s10  }
0x32: {  	s10 =	sld [smem:$0x3FB9];
	_ =	sdelay $0x3  }
0x33: {  	p0 =	seq.s32 s10, $0x1;
	s10 =	sld [smem:$0x3FBB];
	_ =	sdelay $0x3  }
0x34: {  	[smem:$0x3FBB] =	sst s10  }
0x35: {  	s10 =	sld [smem:$0x3FBA];
	_ =	sdelay $0x3  }
0x36: {  	p1 =	seq.s32 s10, $0x1;
	s10 =	sld [smem:$0x3FBB];
	_ =	sdelay $0x3  }
0x37: {  	[smem:$0x3FBB] =	sst s10  }
0x38: {  	s10 =	sld [smem:$0x3FBC]  }
0x39: {  	_ = 	snop;
	(pc) =	sbr.ind lr, $3  }
0x3a: {  	_ = 	snop  }
0x3b: {  	_ = 	snop  }
0x3c: {  	p2 =	seq.s32 s10, $0x1;
	s10 =	sld [smem:$0x3FBB]  }
0x3d: {  	_ =	shalt  }
0x3e: {  	_ =	shalt  }
0x3f: {  	_ =	shalt  }
0x40: {  	_ =	shalt  }
0x41: {  	_ =	shalt  }
0x42: {  	_ =	shalt  }
0x43: {  	_ =	shalt  }
0x44: {  	_ =	shalt  }
0x45: {  	_ =	shalt  }
0x46: {  	_ =	shalt  }
0x47: {  	_ =	shalt  }
0x48: {  	_ =	shalt  }
0x49: {  	_ =	shalt  }
0x4a: {  	_ =	shalt  }
0x4b: {  	_ =	shalt  }
0x4c: {  	_ =	shalt  }
0x4d: {  	_ =	shalt  }
0x4e: {  	_ =	shalt  }
0x4f: {  	_ =	shalt  }
0x50: {  	_ =	shalt  }
0x51: {  	_ =	shalt  }
0x52: {  	_ =	shalt  }
0x53: {  	_ =	shalt  }
0x54: {  	_ =	shalt  }
0x55: {  	_ =	shalt  }
0x56: {  	_ =	shalt  }
0x57: {  	_ =	shalt  }
0x58: {  	_ =	shalt  }
0x59: {  	_ =	shalt  }
0x5a: {  	_ =	shalt  }
0x5b: {  	_ =	shalt  }
0x5c: {  	_ =	shalt  }
0x5d: {  	_ =	shalt  }
0x5e: {  	_ =	shalt  }
0x5f: {  	_ =	shalt  }
0x60: {  	_ =	shalt  }
0x61: {  	_ =	shalt  }
0x62: {  	_ =	shalt  }
0x63: {  	_ =	shalt  }
0x64: {  	_ =	shalt  }
0x65: {  	_ =	shalt  }
0x66: {  	_ =	shalt  }
0x67: {  	_ =	shalt  }
0x68: {  	_ =	shalt  }
0x69: {  	_ =	shalt  }
0x6a: {  	_ =	shalt  }
0x6b: {  	_ =	shalt  }
0x6c: {  	_ =	shalt  }
0x6d: {  	_ =	shalt  }
0x6e: {  	_ =	shalt  }
0x6f: {  	_ =	shalt  }
0x70: {  	_ =	shalt  }
0x71: {  	_ =	shalt  }
0x72: {  	_ =	shalt  }
0x73: {  	_ =	shalt  }
0x74: {  	_ =	shalt  }
0x75: {  	_ =	shalt  }
0x76: {  	_ =	shalt  }
0x77: {  	_ =	shalt  }
0x78: {  	_ =	shalt  }
0x79: {  	_ =	shalt  }
0x7a: {  	_ =	shalt  }
0x7b: {  	_ =	shalt  }
0x7c: {  	_ =	shalt  }
0x7d: {  	_ =	shalt  }
0x7e: {  	_ =	shalt  }
0x7f: {  	_ =	shalt  }
0x80: {  	_ =	shalt  }
0x81: {  	_ =	shalt  }
0x82: {  	_ =	shalt  }
0x83: {  	_ =	shalt  }
0x84: {  	_ =	shalt  }
0x85: {  	_ =	shalt  }
0x86: {  	_ =	shalt  }
0x87: {  	_ =	shalt  }
.Lfunc_end0:
.L_simem_size_0:
called_computation_lowered:
.L_overlay_start_0:
0x88: {  	s2 =	sld [smem:$0x3FD9]  }
0x89: {  	s3 =	sld [smem:$0x3FFE];
	_ =	sdelay $0x1  }
0x8a: {  	s1 =	srdreg.scid  }
0x8b: {  	s0 =	sand.u32 $0x1, s1  }
0x8c: {  	s18 =	sshll.u32 s0, $0xA;
	s2 =	sadd.s32 s3, s2  }
0x8d: {  	s2 =	sadd.s32 s2, s18  }
0x8e: {  	[smem:$0x3FC7] =	sst s2  }
0x8f: {  	_ = 	snop  }
0x90: {  	s2 =	sld [smem:$0x3FC9]  }
0x91: {  	s19 =	sld [smem:$0x3FD0];
	(tm) =	ssettm $0x1  }
0x92: {  	s4 =	sld [smem:$0x3FFB];
	_ =	sdelay $0x3  }
0x93: {  	_ =	strace s4  }
0x94: {  	s4 =	sld [smem:$0x3FFC];
	_ =	sdelay $0x3  }
0x95: {  	_ =	strace s4  }
0x96: {  	s4 =	sld [smem:$0x3FFD];
	_ =	sdelay $0x3  }
0x97: {  	_ =	strace s4  }
0x98: {  	_ =	strace $0x8FFFFFFF  }
0x99: {  	s20 =	sld [smem:$0x3FDB];
	_ =	sdelay $0x1  }
0x9a: {  	s5 =	simm.s32 $_scs_section_size  }
0x9b: {  	s6 =	simm.s32 $_size__tile_overlayer_lowered;
	s7 =	simm.s32 $_tile_overlayer_lowered  }
0x9c: {  	s23 =	simm.s32 $0x1BFF;
	s22 =	sshll.u32 s7, $0x1;
	s4 =	sadd.s32 s5, s20  }
0x9d: {  	s8 =	simm.s32 $0x0;
	s21 =	sshll.u32 s6, $0x1;
	s6 =	sadd.s32 s22, s4  }
0x9e: {  	[timem:s8], [sflag:s23] =	dma.local [hbm:s6], s21  }
0x9f: {  	_ =	swait.ge [sflag:s23], s21  }
0xa0: {  	s5 =	ssub.s32 $0x0, s21;
	[sflag:s23] =	ssyncset.done $0x0  }
0xa1: {  	[sflag:s23] =	ssyncadd.s32 s5;
	_ =	sdelay $0x1  }
0xa2: {  	s24 =	simm.s32 $0x1B8B  }
0xa3: {  	_ =	swait.ge [sflag:s24], $0x1  }
0xa4: {  	[sflag:s24] =	ssyncset.done $0x0  }
0xa5: {  	s25 =	simm.s32 $0x1B8E;
	[sflag:s24] =	ssyncadd.s32 $0xFFFFFFFF  }
0xa6: {  	s26 =	simm.s32 $execute0_lowered;
	[smem:$0x3FD2] =	sst s25  }
0xa7: {  	s5 =	sshll.u32 s26, $0x1;
	_ =	strace $0x80000046;
	[dreg:$0x1] =	wrdreg $0xFFFFFFFF  }
0xa8: {  	s28 =	simm.s32 $_size_execute0_lowered;
	s4 =	sadd.s32 s4, s5;
	[dreg:$0x0] =	wrdreg $0x0  }
0xa9: {  	s5 =	sshll.u32 s28, $0x1;
	[dreg:$0x2] =	wrdreg s4  }
0xaa: {  	[dreg:$0x3] =	wrdreg s5  }
0xab: {  	[dreg:$0x4] =	wrdreg $0xC0  }
0xac: {  	_ =	task [dreg:s8], $0x5FFFF  }
0xad: {  	[dreg:$0x1] =	wrdreg $0xFFFFFFFF  }
0xae: {  	[dreg:$0x0] =	wrdreg $0x60  }
0xaf: {  	[dreg:$0x2] =	wrdreg s2  }
0xb0: {  	[dreg:$0x3] =	wrdreg s19  }
0xb1: {  	[dreg:$0x4] =	wrdreg $0x9  }
0xb2: {  	_ =	task.clear_ibuf [dreg:s8], $0x5FFFF;
	_ =	strace $0x90000046  }
0xb3: {  	s29 =	simm.s32 $0x9;
	_ =	strace $0x80000048  }
0xb4: {  	_ =	swait.ge [sflag:s29], $0x1  }
0xb5: {  	[sflag:s29] =	ssyncadd.s32 $0xFFFFFFFF  }
0xb6: {  	_ =	strace $0x90000048  }
0xb7: {  	_ =	sfence  }
0xb8: {  	s30 =	sld [smem:$0x0];
	_ =	sdelay $0x2  }
0xb9: {  	s31 =	sshll.u32 s1, $0xD;
	s1 =	sshrl.u32 s1, $0x2  }
0xba: {  	s3 =	sand.u32 $0x4000, s31;
	s1 =	sadd.s32 s1, s30  }
0xbb: {  	s0 =	sor.u32 s3, s0;
	s1 =	sshll.u32 s1, $0x11  }
0xbc: {  	s0 =	sor.u32 s1, s0  }
0xbd: {  	s0 =	sadd.s32 $0x8F2B, s0  }
0xbe: {  	[sflag:s0] =	ssyncadd.remote.s32 $0x1  }
0xbf: {  	_ =	sfence.sel $0xFFFF  }
0xc0: {  	[dreg:$0x0] =	wrdreg $0xFFFFFFFF;
	(pc) =	sbr.abs _section_cstart, $3  }
0xc1: {  	[dreg:$0x1] =	wrdreg $0xFFFFFFFF  }
0xc2: {  	_ =	task.clear_ibuf [dreg:s8], $0x2FFFF;
	_ =	strace $0x9FFFFFFF  }
0xc3: {  	(tm) =	ssettm $0x7FFFFFFF  }
tec
execute0_lowered:
.L_overlay_start_1:
0x0: {  	(tag) =	ssettag $0x1  }
0x1: {  	s0 =	rddreg [dreg:$0x0]  }
0x2: {  	s1 =	rddreg [dreg:$0x1]  }
0x3: {  	s2 =	srdreg.scid;
	s25 =	rddreg [dreg:$0x2]  }
0x4: {  	s26 =	stileid.u32;
	s12 =	simm.s32 $0x1;
	s9 =	simm.s32 $0x10000  }
0x5: {  	p0 =	por $0x0, $0x0;
	s3 =	sand.u32 $0x1, s2;
	s2 =	simm.s32 $0x0  }
0x6: {  	s5 =	sshll.u32 s26, $0xF;
	s7 =	sadd.s32 $0x100000, s1;
	s4 =	sshll.u32 s3, $0x13  }
0x7: {  	[smem:$0x7FF] =	sst s2;
	s3 =	ssub.s32 $0x2, s3;
	s6 =	sor.u32 s5, s4  }
0x8: {  	_ =	strace $0x80000047;
	s30 =	sshrl.u32 s3, $0x1;
	s4 =	sadd.s32 $0x300000, s1  }
0x9: {  	s5 =	sadd.s32 s0, s6;
	s3 =	ssub.s32 s3, s30;
	s19 =	sor.u32 $0x2000, s6  }
0xa: {  	s21 =	sadd.s32 s1, s6;
	s10 =	sor.u32 $0x4000, s6;
	s8 =	sor.u32 $0x6000, s6  }
0xb: {  	s22 =	sadd.s32 s6, s7;
	s24 =	sadd.s32 s6, s4;
	s31 =	smax.u32 s3, $0x1  }
0xc: {  	[dreg:$0x3] =	wrdreg s5;
	s20 =	sadd.s32 s0, s19;
	p1 =	sne.s32 s31, $0x1  }
.Ltmp0:
0xd: {  	s5 =	sadd.s32 $0x200000, s1;
	s15 =	sadd.s32 s0, s10;
	(pc) =	sbr.rel @!p1 .LBB2_5-.Ltmp0, $4  }
0xe: {  	s16 =	sadd.s32 s1, s19;
	s13 =	sadd.s32 s0, s8;
	s14 =	sadd.s32 s1, s10  }
0xf: {  	s11 =	sadd.s32 s1, s8;
	s17 =	sadd.s32 s19, s7;
	s3 =	simm.s32 $0x3  }
0x10: {  	s23 =	sadd.s32 s6, s5;
	s6 =	simm.s32 $0x2;
	s18 =	sadd.s32 s19, s5  }
0x11: {  	s19 =	sadd.s32 s19, s4;
	s0 =	sadd.s32 $0xFFFFFFFF, s31;
	s1 =	rddreg [dreg:$0x3]  }
0x12: {  	[tilespmem:s2], [sflag:$0x1] =	stream.linear.gather [hbm4b:s1+s2], $0x10000, $0x38;
	v63 =	vld [tilespmem:$0x0]  }
0x13: {  	_ =	swait.ge [sflag:s12], $0x10000  }
0x14: {  	[sflag:s12] =	ssyncset.done $0x0  }
0x15: {  	[sflag:s12] =	ssyncadd.s32 $0xFFFF0000  }
0x16: {  	[tilespmem:s9], [sflag:$0x1] =	stream.linear.gather [hbm4b:s20+s2], $0x10000, $0x38;
	v63 =	vld [tilespmem:$0x0]  }
0x17: {  	_ = 	snop  }
0x18: {  	[hbm4b:s21+s2] =	stream.linear.scatter [tilespmem:s2], [sflag:$0x2], $0x10000, $0x38;
	v63 =	vld [tilespmem:$0x0]  }
0x19: {  	_ = 	snop  }
0x1a: {  	[hbm4b:s22+s2] =	stream.linear.scatter [tilespmem:s2], [sflag:$0x2], $0x10000, $0x38;
	v63 =	vld [tilespmem:$0x0]  }
0x1b: {  	_ = 	snop  }
0x1c: {  	[hbm4b:s23+s2] =	stream.linear.scatter [tilespmem:s2], [sflag:$0x2], $0x10000, $0x38;
	v63 =	vld [tilespmem:$0x0]  }
0x1d: {  	_ = 	snop  }
0x1e: {  	[hbm4b:s24+s2] =	stream.linear.scatter [tilespmem:s2], [sflag:$0x2], $0x10000, $0x38;
	v63 =	vld [tilespmem:$0x0]  }
0x1f: {  	_ =	swait.ge [sflag:s12], $0x10000  }
0x20: {  	[sflag:s12] =	ssyncset.done $0x0  }
0x21: {  	[sflag:s12] =	ssyncadd.s32 $0xFFFF0000  }
0x22: {  	_ =	swait.ge [sflag:s6], $0x10000  }
0x23: {  	[sflag:s6] =	ssyncset.done $0x0  }
0x24: {  	[sflag:s6] =	ssyncadd.s32 $0xFFFF0000  }
0x25: {  	_ =	swait.ge [sflag:s6], $0x10000  }
0x26: {  	[sflag:s6] =	ssyncset.done $0x0  }
0x27: {  	[sflag:s6] =	ssyncadd.s32 $0xFFFF0000  }
0x28: {  	_ =	swait.ge [sflag:s6], $0x10000  }
0x29: {  	[sflag:s6] =	ssyncset.done $0x0  }
0x2a: {  	[sflag:s6] =	ssyncadd.s32 $0xFFFF0000  }
0x2b: {  	_ =	swait.ge [sflag:s6], $0x10000  }
0x2c: {  	[sflag:s6] =	ssyncset.done $0x0  }
0x2d: {  	[sflag:s6] =	ssyncadd.s32 $0xFFFF0000  }
0x2e: {  	[tilespmem:s2], [sflag:$0x1] =	stream.linear.gather [hbm4b:s15+s2], $0x10000, $0x38;
	v63 =	vld [tilespmem:$0x0]  }
0x2f: {  	_ = 	snop  }
0x30: {  	[hbm4b:s16+s2] =	stream.linear.scatter [tilespmem:s9], [sflag:$0x3], $0x10000, $0x38;
	v63 =	vld [tilespmem:$0x0]  }
0x31: {  	_ = 	snop  }
0x32: {  	[hbm4b:s17+s2] =	stream.linear.scatter [tilespmem:s9], [sflag:$0x3], $0x10000, $0x38;
	v63 =	vld [tilespmem:$0x0]  }
0x33: {  	_ = 	snop  }
0x34: {  	[hbm4b:s18+s2] =	stream.linear.scatter [tilespmem:s9], [sflag:$0x3], $0x10000, $0x38;
	v63 =	vld [tilespmem:$0x0]  }
0x35: {  	_ = 	snop  }
0x36: {  	[hbm4b:s19+s2] =	stream.linear.scatter [tilespmem:s9], [sflag:$0x3], $0x10000, $0x38;
	v63 =	vld [tilespmem:$0x0]  }
0x37: {  	_ =	swait.ge [sflag:s12], $0x10000  }
0x38: {  	[sflag:s12] =	ssyncset.done $0x0  }
0x39: {  	[sflag:s12] =	ssyncadd.s32 $0xFFFF0000  }
0x3a: {  	_ =	swait.ge [sflag:s3], $0x10000  }
0x3b: {  	[sflag:s3] =	ssyncset.done $0x0  }
0x3c: {  	[sflag:s3] =	ssyncadd.s32 $0xFFFF0000  }
0x3d: {  	_ =	swait.ge [sflag:s3], $0x10000  }
0x3e: {  	[sflag:s3] =	ssyncset.done $0x0  }
0x3f: {  	[sflag:s3] =	ssyncadd.s32 $0xFFFF0000  }
0x40: {  	_ =	swait.ge [sflag:s3], $0x10000  }
0x41: {  	[sflag:s3] =	ssyncset.done $0x0  }
0x42: {  	[sflag:s3] =	ssyncadd.s32 $0xFFFF0000  }
0x43: {  	_ =	swait.ge [sflag:s3], $0x10000  }
0x44: {  	[sflag:s3] =	ssyncset.done $0x0  }
0x45: {  	[sflag:s3] =	ssyncadd.s32 $0xFFFF0000  }
0x46: {  	[tilespmem:s9], [sflag:$0x1] =	stream.linear.gather [hbm4b:s13+s2], $0x10000, $0x38;
	v63 =	vld [tilespmem:$0x0]  }
0x47: {  	_ = 	snop  }
0x48: {  	[hbm4b:s14+s2] =	stream.linear.scatter [tilespmem:s2], [sflag:$0x2], $0x10000, $0x38;
	v63 =	vld [tilespmem:$0x0]  }
0x49: {  	s25 =	sadd.s32 s10, s7  }
0x4a: {  	[hbm4b:s25+s2] =	stream.linear.scatter [tilespmem:s2], [sflag:$0x2], $0x10000, $0x38;
	v63 =	vld [tilespmem:$0x0]  }
0x4b: {  	s26 =	sadd.s32 s10, s5  }
0x4c: {  	[hbm4b:s26+s2] =	stream.linear.scatter [tilespmem:s2], [sflag:$0x2], $0x10000, $0x38;
	v63 =	vld [tilespmem:$0x0]  }
0x4d: {  	s28 =	sadd.s32 s10, s4  }
0x4e: {  	[hbm4b:s28+s2] =	stream.linear.scatter [tilespmem:s2], [sflag:$0x2], $0x10000, $0x38;
	v63 =	vld [tilespmem:$0x0]  }
0x4f: {  	_ =	swait.ge [sflag:s12], $0x10000  }
0x50: {  	[sflag:s12] =	ssyncset.done $0x0  }
0x51: {  	[sflag:s12] =	ssyncadd.s32 $0xFFFF0000  }
0x52: {  	[hbm4b:s11+s2] =	stream.linear.scatter [tilespmem:s9], [sflag:$0x3], $0x10000, $0x38;
	v63 =	vld [tilespmem:$0x0]  }
0x53: {  	s29 =	sadd.s32 s8, s7  }
0x54: {  	[hbm4b:s29+s2] =	stream.linear.scatter [tilespmem:s9], [sflag:$0x3], $0x10000, $0x38;
	v63 =	vld [tilespmem:$0x0]  }
0x55: {  	s30 =	sadd.s32 s8, s5  }
0x56: {  	[hbm4b:s30+s2] =	stream.linear.scatter [tilespmem:s9], [sflag:$0x3], $0x10000, $0x38;
	v63 =	vld [tilespmem:$0x0]  }
0x57: {  	s31 =	sadd.s32 s8, s4  }
0x58: {  	[hbm4b:s31+s2] =	stream.linear.scatter [tilespmem:s9], [sflag:$0x3], $0x10000, $0x38;
	v63 =	vld [tilespmem:$0x0]  }
0x59: {  	_ =	swait.ge [sflag:s6], $0x10000  }
0x5a: {  	[sflag:s6] =	ssyncset.done $0x0  }
0x5b: {  	[sflag:s6] =	ssyncadd.s32 $0xFFFF0000  }
0x5c: {  	_ =	swait.ge [sflag:s6], $0x10000  }
0x5d: {  	[sflag:s6] =	ssyncset.done $0x0  }
0x5e: {  	[sflag:s6] =	ssyncadd.s32 $0xFFFF0000  }
0x5f: {  	_ =	swait.ge [sflag:s6], $0x10000  }
0x60: {  	[sflag:s6] =	ssyncset.done $0x0  }
0x61: {  	[sflag:s6] =	ssyncadd.s32 $0xFFFF0000  }
0x62: {  	_ =	swait.ge [sflag:s6], $0x10000  }
0x63: {  	[sflag:s6] =	ssyncset.done $0x0  }
0x64: {  	[sflag:s6] =	ssyncadd.s32 $0xFFFF0000  }
0x65: {  	_ =	swait.ge [sflag:s3], $0x10000  }
0x66: {  	[sflag:s3] =	ssyncset.done $0x0  }
0x67: {  	[sflag:s3] =	ssyncadd.s32 $0xFFFF0000  }
0x68: {  	_ =	swait.ge [sflag:s3], $0x10000  }
0x69: {  	[sflag:s3] =	ssyncset.done $0x0  }
0x6a: {  	p1 =	sne.s32 s0, $0x1;
	[sflag:s3] =	ssyncadd.s32 $0xFFFF0000  }
.Ltmp1:
0x6b: {  	_ =	swait.ge [sflag:s3], $0x10000;
	(pc) =	sbr.rel @!p1 .LBB2_2-.Ltmp1, $4  }
0x6c: {  	[sflag:s3] =	ssyncset.done $0x0  }
0x6d: {  	[sflag:s3] =	ssyncadd.s32 $0xFFFF0000  }
0x6e: {  	s0 =	sadd.s32 $0xFFFFFFFF, s0;
	_ =	swait.ge [sflag:s3], $0x10000  }
0x6f: {  	p0 =	por $0x1, $0x1;
	s1 =	rddreg [dreg:$0x3];
	[sflag:s3] =	ssyncset.done $0x0  }
.LBB2_3:
0x70: {  	[sflag:s3] =	ssyncadd.s32 $0xFFFF0000  }
0x71: {  	[tilespmem:s2], [sflag:$0x1] =	stream.linear.gather [hbm4b:s1+s2], $0x10000, $0x38;
	v63 =	vld [tilespmem:$0x0]  }
0x72: {  	_ =	swait.ge [sflag:s12], $0x10000  }
0x73: {  	[sflag:s12] =	ssyncset.done $0x0  }
0x74: {  	[sflag:s12] =	ssyncadd.s32 $0xFFFF0000  }
0x75: {  	[tilespmem:s9], [sflag:$0x1] =	stream.linear.gather [hbm4b:s20+s2], $0x10000, $0x38;
	v63 =	vld [tilespmem:$0x0]  }
0x76: {  	_ = 	snop  }
0x77: {  	[hbm4b:s21+s2] =	stream.linear.scatter [tilespmem:s2], [sflag:$0x2], $0x10000, $0x38;
	v63 =	vld [tilespmem:$0x0]  }
0x78: {  	_ = 	snop  }
0x79: {  	[hbm4b:s22+s2] =	stream.linear.scatter [tilespmem:s2], [sflag:$0x2], $0x10000, $0x38;
	v63 =	vld [tilespmem:$0x0]  }
0x7a: {  	_ = 	snop  }
0x7b: {  	[hbm4b:s23+s2] =	stream.linear.scatter [tilespmem:s2], [sflag:$0x2], $0x10000, $0x38;
	v63 =	vld [tilespmem:$0x0]  }
0x7c: {  	_ = 	snop  }
0x7d: {  	[hbm4b:s24+s2] =	stream.linear.scatter [tilespmem:s2], [sflag:$0x2], $0x10000, $0x38;
	v63 =	vld [tilespmem:$0x0]  }
0x7e: {  	_ =	swait.ge [sflag:s12], $0x10000  }
0x7f: {  	[sflag:s12] =	ssyncset.done $0x0  }
0x80: {  	[sflag:s12] =	ssyncadd.s32 $0xFFFF0000  }
0x81: {  	_ =	swait.ge [sflag:s6], $0x10000  }
0x82: {  	[sflag:s6] =	ssyncset.done $0x0  }
0x83: {  	[sflag:s6] =	ssyncadd.s32 $0xFFFF0000  }
0x84: {  	_ =	swait.ge [sflag:s6], $0x10000  }
0x85: {  	[sflag:s6] =	ssyncset.done $0x0  }
0x86: {  	[sflag:s6] =	ssyncadd.s32 $0xFFFF0000  }
0x87: {  	_ =	swait.ge [sflag:s6], $0x10000  }
0x88: {  	[sflag:s6] =	ssyncset.done $0x0  }
0x89: {  	[sflag:s6] =	ssyncadd.s32 $0xFFFF0000  }
0x8a: {  	_ =	swait.ge [sflag:s6], $0x10000  }
0x8b: {  	[sflag:s6] =	ssyncset.done $0x0  }
0x8c: {  	[sflag:s6] =	ssyncadd.s32 $0xFFFF0000  }
0x8d: {  	[tilespmem:s2], [sflag:$0x1] =	stream.linear.gather [hbm4b:s15+s2], $0x10000, $0x38;
	v63 =	vld [tilespmem:$0x0]  }
0x8e: {  	_ = 	snop  }
0x8f: {  	[hbm4b:s16+s2] =	stream.linear.scatter [tilespmem:s9], [sflag:$0x3], $0x10000, $0x38;
	v63 =	vld [tilespmem:$0x0]  }
0x90: {  	_ = 	snop  }
0x91: {  	[hbm4b:s17+s2] =	stream.linear.scatter [tilespmem:s9], [sflag:$0x3], $0x10000, $0x38;
	v63 =	vld [tilespmem:$0x0]  }
0x92: {  	_ = 	snop  }
0x93: {  	[hbm4b:s18+s2] =	stream.linear.scatter [tilespmem:s9], [sflag:$0x3], $0x10000, $0x38;
	v63 =	vld [tilespmem:$0x0]  }
0x94: {  	_ = 	snop  }
0x95: {  	[hbm4b:s19+s2] =	stream.linear.scatter [tilespmem:s9], [sflag:$0x3], $0x10000, $0x38;
	v63 =	vld [tilespmem:$0x0]  }
0x96: {  	_ =	swait.ge [sflag:s12], $0x10000  }
0x97: {  	[sflag:s12] =	ssyncset.done $0x0  }
0x98: {  	[sflag:s12] =	ssyncadd.s32 $0xFFFF0000  }
0x99: {  	_ =	swait.ge [sflag:s3], $0x10000  }
0x9a: {  	[sflag:s3] =	ssyncset.done $0x0  }
0x9b: {  	[sflag:s3] =	ssyncadd.s32 $0xFFFF0000  }
0x9c: {  	_ =	swait.ge [sflag:s3], $0x10000  }
0x9d: {  	[sflag:s3] =	ssyncset.done $0x0  }
0x9e: {  	[sflag:s3] =	ssyncadd.s32 $0xFFFF0000  }
0x9f: {  	_ =	swait.ge [sflag:s3], $0x10000  }
0xa0: {  	[sflag:s3] =	ssyncset.done $0x0  }
0xa1: {  	[sflag:s3] =	ssyncadd.s32 $0xFFFF0000  }
0xa2: {  	_ =	swait.ge [sflag:s3], $0x10000  }
0xa3: {  	[sflag:s3] =	ssyncset.done $0x0  }
0xa4: {  	[sflag:s3] =	ssyncadd.s32 $0xFFFF0000  }
0xa5: {  	[tilespmem:s9], [sflag:$0x1] =	stream.linear.gather [hbm4b:s13+s2], $0x10000, $0x38;
	v63 =	vld [tilespmem:$0x0]  }
0xa6: {  	_ = 	snop  }
0xa7: {  	[hbm4b:s14+s2] =	stream.linear.scatter [tilespmem:s2], [sflag:$0x2], $0x10000, $0x38;
	v63 =	vld [tilespmem:$0x0]  }
0xa8: {  	_ = 	snop  }
0xa9: {  	[hbm4b:s25+s2] =	stream.linear.scatter [tilespmem:s2], [sflag:$0x2], $0x10000, $0x38;
	v63 =	vld [tilespmem:$0x0]  }
0xaa: {  	_ = 	snop  }
0xab: {  	[hbm4b:s26+s2] =	stream.linear.scatter [tilespmem:s2], [sflag:$0x2], $0x10000, $0x38;
	v63 =	vld [tilespmem:$0x0]  }
0xac: {  	_ = 	snop  }
0xad: {  	[hbm4b:s28+s2] =	stream.linear.scatter [tilespmem:s2], [sflag:$0x2], $0x10000, $0x38;
	v63 =	vld [tilespmem:$0x0]  }
0xae: {  	_ =	swait.ge [sflag:s12], $0x10000  }
0xaf: {  	[sflag:s12] =	ssyncset.done $0x0  }
0xb0: {  	[sflag:s12] =	ssyncadd.s32 $0xFFFF0000  }
0xb1: {  	[hbm4b:s11+s2] =	stream.linear.scatter [tilespmem:s9], [sflag:$0x3], $0x10000, $0x38;
	v63 =	vld [tilespmem:$0x0]  }
0xb2: {  	_ = 	snop  }
0xb3: {  	[hbm4b:s29+s2] =	stream.linear.scatter [tilespmem:s9], [sflag:$0x3], $0x10000, $0x38;
	v63 =	vld [tilespmem:$0x0]  }
0xb4: {  	_ = 	snop  }
0xb5: {  	[hbm4b:s30+s2] =	stream.linear.scatter [tilespmem:s9], [sflag:$0x3], $0x10000, $0x38;
	v63 =	vld [tilespmem:$0x0]  }
0xb6: {  	_ = 	snop  }
0xb7: {  	[hbm4b:s31+s2] =	stream.linear.scatter [tilespmem:s9], [sflag:$0x3], $0x10000, $0x38;
	v63 =	vld [tilespmem:$0x0]  }
0xb8: {  	_ =	swait.ge [sflag:s6], $0x10000  }
0xb9: {  	[sflag:s6] =	ssyncset.done $0x0  }
0xba: {  	[sflag:s6] =	ssyncadd.s32 $0xFFFF0000  }
0xbb: {  	_ =	swait.ge [sflag:s6], $0x10000  }
0xbc: {  	[sflag:s6] =	ssyncset.done $0x0  }
0xbd: {  	[sflag:s6] =	ssyncadd.s32 $0xFFFF0000  }
0xbe: {  	_ =	swait.ge [sflag:s6], $0x10000  }
0xbf: {  	[sflag:s6] =	ssyncset.done $0x0  }
0xc0: {  	[sflag:s6] =	ssyncadd.s32 $0xFFFF0000  }
0xc1: {  	_ =	swait.ge [sflag:s6], $0x10000  }
0xc2: {  	[sflag:s6] =	ssyncset.done $0x0  }
0xc3: {  	[sflag:s6] =	ssyncadd.s32 $0xFFFF0000  }
0xc4: {  	_ =	swait.ge [sflag:s3], $0x10000  }
0xc5: {  	[sflag:s3] =	ssyncset.done $0x0  }
0xc6: {  	[sflag:s3] =	ssyncadd.s32 $0xFFFF0000  }
0xc7: {  	_ =	swait.ge [sflag:s3], $0x10000  }
0xc8: {  	[sflag:s3] =	ssyncset.done $0x0  }
0xc9: {  	p1 =	sne.s32 s0, $0x1;
	[sflag:s3] =	ssyncadd.s32 $0xFFFF0000  }
.Ltmp2:
0xca: {  	_ =	swait.ge [sflag:s3], $0x10000;
	(pc) =	sbr.rel @p1 .LBB2_3-.Ltmp2, $4  }
0xcb: {  	[sflag:s3] =	ssyncset.done $0x0  }
0xcc: {  	[sflag:s3] =	ssyncadd.s32 $0xFFFF0000  }
0xcd: {  	_ =	swait.ge [sflag:s3], $0x10000  }
0xce: {  	s0 =	sadd.s32 $0xFFFFFFFF, s0;
	s1 =	rddreg [dreg:$0x3];
	[sflag:s3] =	ssyncset.done $0x0  }
0xcf: {  	s25 =	rddreg [dreg:$0x2];
	s26 =	stileid.u32  }
.LBB2_5:
0xd0: {  	[sflag:s3] =	ssyncadd.s32 @p0 $0xFFFF0000  }
0xd1: {  	[tilespmem:s2], [sflag:$0x1] =	stream.linear.gather [hbm4b:s1+s2], $0x10000, $0x38;
	v63 =	vld [tilespmem:$0x0]  }
0xd2: {  	_ =	swait.ge [sflag:s12], $0x10000  }
0xd3: {  	[sflag:s12] =	ssyncset.done $0x0  }
0xd4: {  	[sflag:s12] =	ssyncadd.s32 $0xFFFF0000  }
0xd5: {  	[tilespmem:s9], [sflag:$0x1] =	stream.linear.gather [hbm4b:s20+s2], $0x10000, $0x38;
	v63 =	vld [tilespmem:$0x0]  }
0xd6: {  	_ = 	snop  }
0xd7: {  	[hbm4b:s21+s2] =	stream.linear.scatter [tilespmem:s2], [sflag:$0x2], $0x10000, $0x38;
	v63 =	vld [tilespmem:$0x0]  }
0xd8: {  	_ = 	snop  }
0xd9: {  	[hbm4b:s22+s2] =	stream.linear.scatter [tilespmem:s2], [sflag:$0x2], $0x10000, $0x38;
	v63 =	vld [tilespmem:$0x0]  }
0xda: {  	_ = 	snop  }
0xdb: {  	[hbm4b:s23+s2] =	stream.linear.scatter [tilespmem:s2], [sflag:$0x2], $0x10000, $0x38;
	v63 =	vld [tilespmem:$0x0]  }
0xdc: {  	_ = 	snop  }
0xdd: {  	[hbm4b:s24+s2] =	stream.linear.scatter [tilespmem:s2], [sflag:$0x2], $0x10000, $0x38;
	v63 =	vld [tilespmem:$0x0]  }
0xde: {  	_ =	swait.ge [sflag:s12], $0x10000  }
0xdf: {  	[sflag:s12] =	ssyncset.done $0x0  }
0xe0: {  	[sflag:s12] =	ssyncadd.s32 $0xFFFF0000  }
0xe1: {  	_ =	swait.ge [sflag:s6], $0x10000  }
0xe2: {  	[sflag:s6] =	ssyncset.done $0x0  }
0xe3: {  	[sflag:s6] =	ssyncadd.s32 $0xFFFF0000  }
0xe4: {  	_ =	swait.ge [sflag:s6], $0x10000  }
0xe5: {  	[sflag:s6] =	ssyncset.done $0x0  }
0xe6: {  	[sflag:s6] =	ssyncadd.s32 $0xFFFF0000  }
0xe7: {  	_ =	swait.ge [sflag:s6], $0x10000  }
0xe8: {  	[sflag:s6] =	ssyncset.done $0x0  }
0xe9: {  	[sflag:s6] =	ssyncadd.s32 $0xFFFF0000  }
0xea: {  	_ =	swait.ge [sflag:s6], $0x10000  }
0xeb: {  	[sflag:s6] =	ssyncset.done $0x0  }
0xec: {  	[sflag:s6] =	ssyncadd.s32 $0xFFFF0000  }
0xed: {  	[tilespmem:s2], [sflag:$0x1] =	stream.linear.gather [hbm4b:s15+s2], $0x10000, $0x38;
	v63 =	vld [tilespmem:$0x0]  }
0xee: {  	_ = 	snop  }
0xef: {  	[hbm4b:s16+s2] =	stream.linear.scatter [tilespmem:s9], [sflag:$0x3], $0x10000, $0x38;
	v63 =	vld [tilespmem:$0x0]  }
0xf0: {  	_ = 	snop  }
0xf1: {  	[hbm4b:s17+s2] =	stream.linear.scatter [tilespmem:s9], [sflag:$0x3], $0x10000, $0x38;
	v63 =	vld [tilespmem:$0x0]  }
0xf2: {  	_ = 	snop  }
0xf3: {  	[hbm4b:s18+s2] =	stream.linear.scatter [tilespmem:s9], [sflag:$0x3], $0x10000, $0x38;
	v63 =	vld [tilespmem:$0x0]  }
0xf4: {  	_ = 	snop  }
0xf5: {  	[hbm4b:s19+s2] =	stream.linear.scatter [tilespmem:s9], [sflag:$0x3], $0x10000, $0x38;
	v63 =	vld [tilespmem:$0x0]  }
0xf6: {  	_ =	swait.ge [sflag:s12], $0x10000  }
0xf7: {  	[sflag:s12] =	ssyncset.done $0x0  }
0xf8: {  	[sflag:s12] =	ssyncadd.s32 $0xFFFF0000  }
0xf9: {  	_ =	swait.ge [sflag:s3], $0x10000  }
0xfa: {  	[sflag:s3] =	ssyncset.done $0x0  }
0xfb: {  	[sflag:s3] =	ssyncadd.s32 $0xFFFF0000  }
0xfc: {  	_ =	swait.ge [sflag:s3], $0x10000  }
0xfd: {  	[sflag:s3] =	ssyncset.done $0x0  }
0xfe: {  	[sflag:s3] =	ssyncadd.s32 $0xFFFF0000  }
0xff: {  	_ =	swait.ge [sflag:s3], $0x10000  }
0x100: {  	[sflag:s3] =	ssyncset.done $0x0  }
0x101: {  	[sflag:s3] =	ssyncadd.s32 $0xFFFF0000  }
0x102: {  	_ =	swait.ge [sflag:s3], $0x10000  }
0x103: {  	[sflag:s3] =	ssyncset.done $0x0  }
0x104: {  	[sflag:s3] =	ssyncadd.s32 $0xFFFF0000  }
0x105: {  	[tilespmem:s9], [sflag:$0x1] =	stream.linear.gather [hbm4b:s13+s2], $0x10000, $0x38;
	v63 =	vld [tilespmem:$0x0]  }
0x106: {  	_ = 	snop  }
0x107: {  	[hbm4b:s14+s2] =	stream.linear.scatter [tilespmem:s2], [sflag:$0x2], $0x10000, $0x38;
	v63 =	vld [tilespmem:$0x0]  }
0x108: {  	s0 =	sadd.s32 s10, s7  }
0x109: {  	[hbm4b:s0+s2] =	stream.linear.scatter [tilespmem:s2], [sflag:$0x2], $0x10000, $0x38;
	v63 =	vld [tilespmem:$0x0]  }
0x10a: {  	s24 =	sadd.s32 s10, s5  }
0x10b: {  	[hbm4b:s24+s2] =	stream.linear.scatter [tilespmem:s2], [sflag:$0x2], $0x10000, $0x38;
	v63 =	vld [tilespmem:$0x0]  }
0x10c: {  	s28 =	sadd.s32 s10, s4  }
0x10d: {  	[hbm4b:s28+s2] =	stream.linear.scatter [tilespmem:s2], [sflag:$0x2], $0x10000, $0x38;
	v63 =	vld [tilespmem:$0x0]  }
0x10e: {  	_ =	swait.ge [sflag:s12], $0x10000  }
0x10f: {  	[sflag:s12] =	ssyncset.done $0x0  }
0x110: {  	[sflag:s12] =	ssyncadd.s32 $0xFFFF0000  }
0x111: {  	[hbm4b:s11+s2] =	stream.linear.scatter [tilespmem:s9], [sflag:$0x3], $0x10000, $0x38;
	v63 =	vld [tilespmem:$0x0]  }
0x112: {  	s29 =	sadd.s32 s8, s7  }
0x113: {  	[hbm4b:s29+s2] =	stream.linear.scatter [tilespmem:s9], [sflag:$0x3], $0x10000, $0x38;
	v63 =	vld [tilespmem:$0x0]  }
0x114: {  	s30 =	sadd.s32 s8, s5  }
0x115: {  	[hbm4b:s30+s2] =	stream.linear.scatter [tilespmem:s9], [sflag:$0x3], $0x10000, $0x38;
	v63 =	vld [tilespmem:$0x0]  }
0x116: {  	s31 =	sadd.s32 s8, s4  }
0x117: {  	[hbm4b:s31+s2] =	stream.linear.scatter [tilespmem:s9], [sflag:$0x3], $0x10000, $0x38;
	v63 =	vld [tilespmem:$0x0]  }
0x118: {  	_ =	swait.ge [sflag:s6], $0x10000  }
0x119: {  	[sflag:s6] =	ssyncset.done $0x0  }
0x11a: {  	[sflag:s6] =	ssyncadd.s32 $0xFFFF0000  }
0x11b: {  	_ =	swait.ge [sflag:s6], $0x10000  }
0x11c: {  	[sflag:s6] =	ssyncset.done $0x0  }
0x11d: {  	[sflag:s6] =	ssyncadd.s32 $0xFFFF0000  }
0x11e: {  	_ =	swait.ge [sflag:s6], $0x10000  }
0x11f: {  	[sflag:s6] =	ssyncset.done $0x0  }
0x120: {  	[sflag:s6] =	ssyncadd.s32 $0xFFFF0000  }
0x121: {  	_ =	swait.ge [sflag:s6], $0x10000  }
0x122: {  	[sflag:s6] =	ssyncset.done $0x0  }
0x123: {  	[sflag:s6] =	ssyncadd.s32 $0xFFFF0000  }
0x124: {  	_ =	swait.ge [sflag:s3], $0x10000  }
0x125: {  	[sflag:s3] =	ssyncset.done $0x0  }
0x126: {  	[sflag:s3] =	ssyncadd.s32 $0xFFFF0000  }
0x127: {  	_ =	swait.ge [sflag:s3], $0x10000  }
0x128: {  	[sflag:s3] =	ssyncset.done $0x0  }
0x129: {  	[sflag:s3] =	ssyncadd.s32 $0xFFFF0000  }
0x12a: {  	_ =	swait.ge [sflag:s3], $0x10000  }
0x12b: {  	[sflag:s3] =	ssyncset.done $0x0  }
0x12c: {  	[sflag:s3] =	ssyncadd.s32 $0xFFFF0000  }
0x12d: {  	_ =	swait.ge [sflag:s3], $0x10000  }
0x12e: {  	[sflag:s3] =	ssyncset.done $0x0  }
0x12f: {  	[sflag:s3] =	ssyncadd.s32 $0xFFFF0000  }
0x130: {  	_ =	sfence.sel $0x180000  }
0x131: {  	[bflag:$0x0] =	sbarrier.arrive $0xFFFF  }
0x132: {  	p0 =	sne.s32 s26, $0x0;
	_ =	strace $0x90000047  }
0x133: {  	s0 =	sadd.s32 @!p0 $0x100000, s25;
	[bflag:$0x2] =	sbarrier.arrive $0xFFFF  }
0x134: {  	[sflag:s0] =	ssyncadd.tile.s32 @!p0 $0x1;
	_ =	shalt  }
.LBB2_2:
.Ltmp3:
0x135: {  	(pc) =	sbr.rel .LBB2_5-.Ltmp3, $2  }
0x136: {  	_ =	sdelay $0x2  }
0x137: {  	s25 =	rddreg [dreg:$0x2];
	s26 =	stileid.u32  }
.Lfunc_end2:
_tile_overlayer_lowered:
.L_overlay_start_2:
0x138: {  	(tag) =	ssettag $0x2  }
0x139: {  	s0 =	rddreg [dreg:$0x0];
	s2 =	stileid.u32  }
0x13a: {  	s1 =	rddreg [dreg:$0x1];
	p0 =	sne.s32 s2, $0x0  }
0x13b: {  	s3 =	rddreg [dreg:$0x2];
	[bflag:$0x3] =	sbarrier.arrive $0xFFFF;
	s2 =	simm.s32 @!p0 $0x1C04  }
0x13c: {  	[timem:s3], [sflag:s2] =	dma.local @!p0 [hbm:s0], s1  }
0x13d: {  	s0 =	simm.s32 @!p0 $0x4  }
0x13e: {  	_ =	swait.ge @!p0 [sflag:s0], s1  }
0x13f: {  	s1 =	ssub.s32 @!p0 $0x0, s1;
	[sflag:s0] =	ssyncset.done @!p0 $0x0  }
0x140: {  	[sflag:s0] =	ssyncadd.s32 @!p0 s1  }
0x141: {  	[bflag:$0x3] =	sbarrier.arrive $0xFFFF  }
0x142: {  	_ =	shalt  }

</sc_bundles>
